<compile_context>
chip_gen: v7x
topology: tpu7x:2x2x1
jax: 0.10.2.dev20260603
libtpu: 0.0.44.dev20260713+nightly
codegen_flags: <defaults>
</compile_context>

<pallas_src>
import functools

import jax
import jax.numpy as jnp
from jax import lax
from jax.experimental import pallas as pl
from jax.experimental.pallas import tpu as pltpu
from jax.experimental.pallas import tpu_sc as plsc

D_FEAT = 64
D_H = 300
D_OUT = 300
DEPTH = 3

P = 1024
MPP = 3
A_M = 24
A_S = 12
NMG = P * MPP
G_M = 16
G_S = 32

_HI = jax.lax.Precision.HIGHEST


_TPS = 4


def _mpnn_kernel(x_ref, bc_ref, wi_ref, bi_ref, wh_ref, bh_ref, wa_ref,
                 g_ref, *, atoms, graphs):
    rows = atoms * graphs
    cols = jax.lax.broadcasted_iota(jnp.int32, (atoms, rows), 1)
    sel_rows = jax.lax.broadcasted_iota(jnp.int32, (atoms, rows), 0)
    sel = (cols % atoms == sel_rows).astype(jnp.float32)
    r_ids = jax.lax.broadcasted_iota(jnp.int32, (rows, rows), 0)
    c_ids = jax.lax.broadcasted_iota(jnp.int32, (rows, rows), 1)
    blockmask = (r_ids // atoms == c_ids // atoms).astype(jnp.float32)

    wi = wi_ref[...]
    bi = bi_ref[...]
    wh = wh_ref[...]
    bh = bh_ref[...]
    wa = wa_ref[...].reshape(1, 1, D_H)
    wab = wa.astype(jnp.bfloat16).astype(jnp.float32)

    for t in range(_TPS):
        x = x_ref[t * rows:(t + 1) * rows, :]
        bc = bc_ref[t * rows:(t + 1) * rows, :]
        h0 = jnp.maximum(x @ wi + bi, 0.0)
        bd = (bc @ sel) * blockmask
        bdb = bd.astype(jnp.bfloat16)
        h = h0
        for _ in range(DEPTH):
            h_hi = h.astype(jnp.bfloat16)
            r1 = h - h_hi.astype(jnp.float32)
            h_mid = r1.astype(jnp.bfloat16)
            h_lo = (r1 - h_mid.astype(jnp.float32)).astype(jnp.bfloat16)
            m = ((jnp.dot(bdb, h_hi, preferred_element_type=jnp.float32)
                  + jnp.dot(bdb, h_mid, preferred_element_type=jnp.float32))
                 + jnp.dot(bdb, h_lo, preferred_element_type=jnp.float32))
            h = jnp.maximum(h0 + m @ wh + bh, 0.0)

        h3 = h.reshape(graphs, atoms, D_H)
        hb = h3.astype(jnp.bfloat16).astype(jnp.float32)
        s3 = jnp.sum(hb * wab, axis=2)
        smax = jnp.max(s3, axis=1, keepdims=True)
        e3 = jnp.exp(s3 - smax)
        den = jnp.sum(e3, axis=1, keepdims=True)
        a3 = e3 / den
        g_ref[t * graphs:(t + 1) * graphs, :] = \
            jnp.sum(a3[:, :, None] * h3, axis=1)


def _run_mpnn(x, bc, Wi, bi, Wh, bh, wa, *, atoms, graphs, n_graphs):
    rows = atoms * graphs
    tiles = n_graphs // (graphs * _TPS)
    body = functools.partial(_mpnn_kernel, atoms=atoms, graphs=graphs)
    return pl.pallas_call(
        body,
        grid=(tiles,),
        in_specs=[
            pl.BlockSpec((rows * _TPS, D_FEAT), lambda i: (i, 0)),
            pl.BlockSpec((rows * _TPS, atoms), lambda i: (i, 0)),
            pl.BlockSpec((D_FEAT, D_H), lambda i: (0, 0)),
            pl.BlockSpec((1, D_H), lambda i: (0, 0)),
            pl.BlockSpec((D_H, D_H), lambda i: (0, 0)),
            pl.BlockSpec((1, D_H), lambda i: (0, 0)),
            pl.BlockSpec((1, D_H), lambda i: (0, 0)),
        ],
        out_specs=pl.BlockSpec((graphs * _TPS, D_H), lambda i: (i, 0)),
        out_shape=jax.ShapeDtypeStruct((n_graphs, D_H), jnp.float32),
    )(x, bc, Wi, bi.reshape(1, D_H), Wh, bh.reshape(1, D_H),
      wa.reshape(1, D_H))


def _head_kernel(g0_ref, g1_ref, g2_ref, gs_ref, mwo_ref, mbo_ref, swo_ref,
                 sbo_ref, w1_ref, b1_ref, w2_ref, b2_ref, w3_ref, b3_ref,
                 w4_ref, b4_ref, out_ref):
    mwo = mwo_ref[...]
    mbo = mbo_ref[...]
    mf0 = g0_ref[...] @ mwo + mbo
    mf1 = g1_ref[...] @ mwo + mbo
    mf2 = g2_ref[...] @ mwo + mbo
    sf = gs_ref[...] @ swo_ref[...] + sbo_ref[...]
    comb = (mf0 + mf1 + mf2) / 3.0 + sf
    h = jnp.maximum(comb @ w1_ref[...] + b1_ref[...], 0.0)
    h = jnp.maximum(h @ w2_ref[...] + b2_ref[...], 0.0)
    h = jnp.maximum(h @ w3_ref[...] + b3_ref[...], 0.0)
    out_ref[...] = h @ w4_ref[...] + b4_ref[...]


def _run_head(gm, gs, m_Wo, m_bo, s_Wo, s_bo, f_W1, f_b1, f_W2, f_b2,
              f_W3, f_b3, f_W4, f_b4):
    bt = 256
    tiles = P // bt
    g0, g1, g2 = gm[0::3], gm[1::3], gm[2::3]
    row_spec = pl.BlockSpec((bt, D_H), lambda i: (i, 0))

    def w_spec(shape):
        return pl.BlockSpec(shape, lambda i: (0, 0))

    return pl.pallas_call(
        _head_kernel,
        grid=(tiles,),
        in_specs=[
            row_spec, row_spec, row_spec, row_spec,
            w_spec((D_H, D_OUT)), w_spec((1, D_OUT)),
            w_spec((D_H, D_OUT)), w_spec((1, D_OUT)),
            w_spec((D_OUT, 128)), w_spec((1, 128)),
            w_spec((128, 128)), w_spec((1, 128)),
            w_spec((128, 128)), w_spec((1, 128)),
            w_spec((128, 7)), w_spec((1, 7)),
        ],
        out_specs=pl.BlockSpec((bt, 7), lambda i: (i, 0)),
        out_shape=jax.ShapeDtypeStruct((P, 7), jnp.float32),
    )(g0, g1, g2, gs, m_Wo, m_bo.reshape(1, D_OUT), s_Wo,
      s_bo.reshape(1, D_OUT), f_W1, f_b1.reshape(1, 128), f_W2,
      f_b2.reshape(1, 128), f_W3, f_b3.reshape(1, 128), f_W4,
      f_b4.reshape(1, 7))


_NW = 32
_EPG_M = 48
_EPG_S = 24


def _sc_build_adjacency(me_src, me_dst, se_src, se_dst):
    gm_w = NMG // _NW
    gs_w = P // _NW
    em_w = gm_w * _EPG_M
    es_w = gs_w * _EPG_S
    cm_w = gm_w * A_M * A_M
    cs_w = gs_w * A_S * A_S

    mesh = plsc.VectorSubcoreMesh(core_axis_name="c", subcore_axis_name="s")

    @functools.partial(
        pl.kernel,
        out_type=(jax.ShapeDtypeStruct((NMG * A_M * A_M,), jnp.float32),
                  jax.ShapeDtypeStruct((P * A_S * A_S,), jnp.float32)),
        mesh=mesh,
        compiler_params=pltpu.CompilerParams(needs_layout_passes=False),
        scratch_types=[
            pltpu.VMEM((cm_w,), jnp.float32),
            pltpu.VMEM((cs_w,), jnp.float32),
            pltpu.VMEM((em_w,), jnp.int32),
            pltpu.VMEM((em_w,), jnp.int32),
            pltpu.VMEM((es_w,), jnp.int32),
            pltpu.VMEM((es_w,), jnp.int32),
        ],
    )
    def build(ms_hbm, md_hbm, ss_hbm, sd_hbm, bm_hbm, bs_hbm,
              accm, accs, msv, mdv, ssv, sdv):
        wid = lax.axis_index("s") * 2 + lax.axis_index("c")
        pltpu.sync_copy(ms_hbm.at[pl.ds(wid * em_w, em_w)], msv)
        pltpu.sync_copy(md_hbm.at[pl.ds(wid * em_w, em_w)], mdv)
        pltpu.sync_copy(ss_hbm.at[pl.ds(wid * es_w, es_w)], ssv)
        pltpu.sync_copy(sd_hbm.at[pl.ds(wid * es_w, es_w)], sdv)

        zero16 = jnp.zeros((16,), jnp.float32)

        def zero_acc(acc, n):
            def zbody(i, _):
                for k in range(8):
                    acc[pl.ds(i * 128 + k * 16, 16)] = zero16
                return 0
            lax.fori_loop(0, n // 128, zbody, 0)

        zero_acc(accm, cm_w)
        zero_acc(accs, cs_w)

        lanes = lax.iota(jnp.int32, 16)
        ones = jnp.ones((16,), jnp.float32)

        def family(acc, srcv, dstv, atoms, epg, gpw):
            cells = atoms * atoms
            gfirst = wid * gpw

            def body(e, _):
                for c in range(gpw // 16):
                    gl = c * 16 + lanes
                    eidx = gl * epg + e
                    s = plsc.load_gather(srcv, [eidx])
                    d = plsc.load_gather(dstv, [eidx])
                    abase = (gfirst + gl) * atoms
                    ls = s - abase
                    ld = d - abase
                    cbase = gl * cells
                    plsc.addupdate_scatter(acc, [cbase + ld * atoms + ls], ones)
                    plsc.addupdate_scatter(acc, [cbase + ls * atoms + ld], ones)
                return 0

            lax.fori_loop(0, epg, body, 0)

        family(accm, msv, mdv, A_M, _EPG_M, gm_w)
        family(accs, ssv, sdv, A_S, _EPG_S, gs_w)

        pltpu.sync_copy(accm, bm_hbm.at[pl.ds(wid * cm_w, cm_w)])
        pltpu.sync_copy(accs, bs_hbm.at[pl.ds(wid * cs_w, cs_w)])

    bm, bs = build(me_src, me_dst, se_src, se_dst)
    return (bm.reshape(NMG * A_M, A_M), bs.reshape(P * A_S, A_S))


def kernel(monomer_x, solvent_x, monomer_edge_index, solvent_edge_index,
           monomer_batch, solvent_batch, polymer_mapping, m_Wi, m_bi, m_Wh,
           m_bh, m_wa, m_Wo, m_bo, s_Wi, s_bi, s_Wh, s_bh, s_wa, s_Wo, s_bo,
           f_W1, f_b1, f_W2, f_b2, f_W3, f_b3, f_W4, f_b4):
    bc_m, bc_s = _sc_build_adjacency(
        monomer_edge_index[0], monomer_edge_index[1],
        solvent_edge_index[0], solvent_edge_index[1])
    gm = _run_mpnn(monomer_x, bc_m, m_Wi, m_bi, m_Wh, m_bh, m_wa,
                   atoms=A_M, graphs=G_M, n_graphs=NMG)
    gs = _run_mpnn(solvent_x, bc_s, s_Wi, s_bi, s_Wh, s_bh, s_wa,
                   atoms=A_S, graphs=G_S, n_graphs=P)
    return _run_head(gm, gs, m_Wo, m_bo, s_Wo, s_bo, f_W1, f_b1, f_W2, f_b2,
                     f_W3, f_b3, f_W4, f_b4)

# --- scband reference (transcript-rebuilt; emitter-appended) ---
"""Pipeline reference for scband-just-mpnn-59219009077958 (READ-ONLY COPY).

The authoritative reference and input builder live on the scoring server;
editing this copy changes nothing except your own understanding.
"""

import jax, jax.numpy as jnp
import numpy as np

P = 1024
MPP = 3
ATOMS_M = 24
ATOMS_S = 12
D_FEAT = 64
D_H = 300
D_OUT = 300
DEPTH = 3
NMG = P * MPP
N_M = NMG * ATOMS_M
E_M = NMG * 48
N_S = P * ATOMS_S
E_S = P * 24

_PARAM_SHAPES = [('m_Wi', (D_FEAT, D_H)), ('m_bi', (D_H,)), ('m_Wh', (D_H, D_H)), ('m_bh', (D_H,)), ('m_wa', (D_H,)), ('m_Wo', (D_H, D_OUT)), ('m_bo', (D_OUT,)), ('s_Wi', (D_FEAT, D_H)), ('s_bi', (D_H,)), ('s_Wh', (D_H, D_H)), ('s_bh', (D_H,)), ('s_wa', (D_H,)), ('s_Wo', (D_H, D_OUT)), ('s_bo', (D_OUT,)), ('f_W1', (D_OUT, 128)), ('f_b1', (128,)), ('f_W2', (128, 128)), ('f_b2', (128,)), ('f_W3', (128, 128)), ('f_b3', (128,)), ('f_W4', (128, 7)), ('f_b4', (7,))]


def _init(key, shape):
    return jax.random.normal(key, shape, dtype=jnp.float32) / np.sqrt(float(shape[0]))


def setup_inputs(seed: int = 0) -> dict:
    key = jax.random.key(seed)
    ks = jax.random.split(key, 32)
    rng = np.random.default_rng(0)
    eg_m = np.repeat(np.arange(NMG), 48)
    mei = np.stack([eg_m * ATOMS_M + rng.integers(0, ATOMS_M, E_M), eg_m * ATOMS_M + rng.integers(0, ATOMS_M, E_M)])
    eg_s = np.repeat(np.arange(P), 24)
    sei = np.stack([eg_s * ATOMS_S + rng.integers(0, ATOMS_S, E_S), eg_s * ATOMS_S + rng.integers(0, ATOMS_S, E_S)])
    inp = {
        'monomer_x': jax.random.normal(ks[0], (N_M, D_FEAT), dtype=jnp.float32),
        'solvent_x': jax.random.normal(ks[1], (N_S, D_FEAT), dtype=jnp.float32),
        'monomer_edge_index': jnp.asarray(mei, dtype=jnp.int32),
        'solvent_edge_index': jnp.asarray(sei, dtype=jnp.int32),
        'monomer_batch': jnp.asarray(np.repeat(np.arange(NMG), ATOMS_M), dtype=jnp.int32),
        'solvent_batch': jnp.asarray(np.repeat(np.arange(P), ATOMS_S), dtype=jnp.int32),
        'polymer_mapping': jnp.asarray(np.repeat(np.arange(P), MPP + 1), dtype=jnp.int32),
    }
    for i, (n, s) in enumerate(_PARAM_SHAPES):
        inp[n] = _init(ks[2 + i], s)
    return inp


def _mpnn(x, ei, batch_ids, num_graphs, Wi, bi, Wh, bh, wa, Wo, bo):
    n = x.shape[0]
    h0 = jax.nn.relu(x @ Wi + bi)
    h = h0
    src, dst = ei[0], ei[1]
    for _ in range(DEPTH):
        m = jax.ops.segment_sum(h[src], dst, num_segments=n) + jax.ops.segment_sum(h[dst], src, num_segments=n)
        h = jax.nn.relu(h0 + m @ Wh + bh)
    scores = h @ wa
    smax = jax.ops.segment_max(scores, batch_ids, num_segments=num_graphs)
    ex = jnp.exp(scores - smax[batch_ids])
    denom = jax.ops.segment_sum(ex, batch_ids, num_segments=num_graphs)
    a = ex / denom[batch_ids]
    g = jax.ops.segment_sum(a[:, None] * h, batch_ids, num_segments=num_graphs)
    return g @ Wo + bo


def _avg_monomer_add_solvent(mf, sf, polymer_mapping, num_polymers):
    counts = jnp.bincount(polymer_mapping, length=num_polymers)
    mon_counts = counts - 1
    mon_poly = jnp.repeat(jnp.arange(num_polymers), mon_counts, total_repeat_length=mf.shape[0])
    sums = jax.ops.segment_sum(mf, mon_poly, num_segments=num_polymers)
    return sums / mon_counts[:, None].astype(mf.dtype) + sf


def reference(monomer_x, solvent_x, monomer_edge_index, solvent_edge_index, monomer_batch, solvent_batch, polymer_mapping, m_Wi, m_bi, m_Wh, m_bh, m_wa, m_Wo, m_bo, s_Wi, s_bi, s_Wh, s_bh, s_wa, s_Wo, s_bo, f_W1, f_b1, f_W2, f_b2, f_W3, f_b3, f_W4, f_b4):
    mf = _mpnn(monomer_x, monomer_edge_index, monomer_batch, NMG, m_Wi, m_bi, m_Wh, m_bh, m_wa, m_Wo, m_bo)
    sf = _mpnn(solvent_x, solvent_edge_index, solvent_batch, P, s_Wi, s_bi, s_Wh, s_bh, s_wa, s_Wo, s_bo)
    combined = _avg_monomer_add_solvent(mf, sf, polymer_mapping, P)
    h = jax.nn.relu(combined @ f_W1 + f_b1)
    h = jax.nn.relu(h @ f_W2 + f_b2)
    h = jax.nn.relu(h @ f_W3 + f_b3)
    return h @ f_W4 + f_b4

if __name__ == "__main__":
    import jax
    _d = setup_inputs()
    print(jax.jit(kernel)(*tuple(_d.values())))

</pallas_src>

<mosaic_0001>
#map = affine_map<(d0, d1) -> (0)>
module attributes {stable_mosaic.version = 14 : i64} {
  func.func @build(%arg0: i32, %arg1: i32, %arg2: memref<147456xi32, #tpu.memory_space<hbm>>, %arg3: memref<147456xi32, #tpu.memory_space<hbm>>, %arg4: memref<24576xi32, #tpu.memory_space<hbm>>, %arg5: memref<24576xi32, #tpu.memory_space<hbm>>, %arg6: memref<1769472xf32, #tpu.memory_space<hbm>>, %arg7: memref<147456xf32, #tpu.memory_space<hbm>>, %arg8: memref<55296xf32, #tpu.memory_space<vmem>>, %arg9: memref<4608xf32, #tpu.memory_space<vmem>>, %arg10: memref<4608xi32, #tpu.memory_space<vmem>>, %arg11: memref<4608xi32, #tpu.memory_space<vmem>>, %arg12: memref<768xi32, #tpu.memory_space<vmem>>, %arg13: memref<768xi32, #tpu.memory_space<vmem>>) attributes {dimension_semantics = [#tpu.dimension_semantics<core_parallel>, #tpu.dimension_semantics<subcore_parallel>], iteration_bounds = array<i64: 2, 16>, scalar_prefetch = 0 : i64, scratch_operands = 6 : i64, tpu.core_type = #tpu.core_type<sc_vector_subcore>, window_params = [{transform_indices = #map}, {transform_indices = #map}, {transform_indices = #map}, {transform_indices = #map}, {transform_indices = #map}, {transform_indices = #map}]} {
    %mul3A = arith.constant 2 : i32
    %mul3A_0 = arith.muli %arg1, %mul3A : i32
    %add3A = arith.addi %mul3A_0, %arg0 : i32
    %mul3A_1 = arith.constant 4608 : i32
    %mul3A_2 = arith.muli %add3A, %mul3A_1 : i32
    "tpu.region"() ({
      %run_scoped3A = tpu.sem_alloc : memref<!tpu.dma_semaphore, #tpu.memory_space<semaphore_mem>>
      %dma_start3A = tpu.memref_slice %arg2[%mul3A_2] : memref<147456xi32, #tpu.memory_space<hbm>> -> memref<4608xi32, #tpu.memory_space<hbm>>
      %dma_start3A_47 = tpu.memref_slice %arg2[%mul3A_2] : memref<147456xi32, #tpu.memory_space<hbm>> -> memref<4608xi32, #tpu.memory_space<hbm>>
      tpu.enqueue_dma source(%dma_start3A_47 : memref<4608xi32, #tpu.memory_space<hbm>>) target(%arg10 : memref<4608xi32, #tpu.memory_space<vmem>>) target_semaphore(%run_scoped3A : memref<!tpu.dma_semaphore, #tpu.memory_space<semaphore_mem>>)
      %dma_wait3A = tpu.memref_slice %arg2[%mul3A_2] : memref<147456xi32, #tpu.memory_space<hbm>> -> memref<4608xi32, #tpu.memory_space<hbm>>
      %dma_wait3A_48 = tpu.memref_slice %arg2[%mul3A_2] : memref<147456xi32, #tpu.memory_space<hbm>> -> memref<4608xi32, #tpu.memory_space<hbm>>
      tpu.wait_dma2 semaphore(%run_scoped3A : memref<!tpu.dma_semaphore, #tpu.memory_space<semaphore_mem>>) src(%dma_wait3A_48 : memref<4608xi32, #tpu.memory_space<hbm>>) dst(%arg10 : memref<4608xi32, #tpu.memory_space<vmem>>)
      tpu.yield
    }) : () -> ()
    %mul3A_3 = arith.constant 4608 : i32
    %mul3A_4 = arith.muli %add3A, %mul3A_3 : i32
    "tpu.region"() ({
      %run_scoped3A = tpu.sem_alloc : memref<!tpu.dma_semaphore, #tpu.memory_space<semaphore_mem>>
      %dma_start3A = tpu.memref_slice %arg3[%mul3A_4] : memref<147456xi32, #tpu.memory_space<hbm>> -> memref<4608xi32, #tpu.memory_space<hbm>>
      %dma_start3A_47 = tpu.memref_slice %arg3[%mul3A_4] : memref<147456xi32, #tpu.memory_space<hbm>> -> memref<4608xi32, #tpu.memory_space<hbm>>
      tpu.enqueue_dma source(%dma_start3A_47 : memref<4608xi32, #tpu.memory_space<hbm>>) target(%arg11 : memref<4608xi32, #tpu.memory_space<vmem>>) target_semaphore(%run_scoped3A : memref<!tpu.dma_semaphore, #tpu.memory_space<semaphore_mem>>)
      %dma_wait3A = tpu.memref_slice %arg3[%mul3A_4] : memref<147456xi32, #tpu.memory_space<hbm>> -> memref<4608xi32, #tpu.memory_space<hbm>>
      %dma_wait3A_48 = tpu.memref_slice %arg3[%mul3A_4] : memref<147456xi32, #tpu.memory_space<hbm>> -> memref<4608xi32, #tpu.memory_space<hbm>>
      tpu.wait_dma2 semaphore(%run_scoped3A : memref<!tpu.dma_semaphore, #tpu.memory_space<semaphore_mem>>) src(%dma_wait3A_48 : memref<4608xi32, #tpu.memory_space<hbm>>) dst(%arg11 : memref<4608xi32, #tpu.memory_space<vmem>>)
      tpu.yield
    }) : () -> ()
    %mul3A_5 = arith.constant 768 : i32
    %mul3A_6 = arith.muli %add3A, %mul3A_5 : i32
    "tpu.region"() ({
      %run_scoped3A = tpu.sem_alloc : memref<!tpu.dma_semaphore, #tpu.memory_space<semaphore_mem>>
      %dma_start3A = tpu.memref_slice %arg4[%mul3A_6] : memref<24576xi32, #tpu.memory_space<hbm>> -> memref<768xi32, #tpu.memory_space<hbm>>
      %dma_start3A_47 = tpu.memref_slice %arg4[%mul3A_6] : memref<24576xi32, #tpu.memory_space<hbm>> -> memref<768xi32, #tpu.memory_space<hbm>>
      tpu.enqueue_dma source(%dma_start3A_47 : memref<768xi32, #tpu.memory_space<hbm>>) target(%arg12 : memref<768xi32, #tpu.memory_space<vmem>>) target_semaphore(%run_scoped3A : memref<!tpu.dma_semaphore, #tpu.memory_space<semaphore_mem>>)
      %dma_wait3A = tpu.memref_slice %arg4[%mul3A_6] : memref<24576xi32, #tpu.memory_space<hbm>> -> memref<768xi32, #tpu.memory_space<hbm>>
      %dma_wait3A_48 = tpu.memref_slice %arg4[%mul3A_6] : memref<24576xi32, #tpu.memory_space<hbm>> -> memref<768xi32, #tpu.memory_space<hbm>>
      tpu.wait_dma2 semaphore(%run_scoped3A : memref<!tpu.dma_semaphore, #tpu.memory_space<semaphore_mem>>) src(%dma_wait3A_48 : memref<768xi32, #tpu.memory_space<hbm>>) dst(%arg12 : memref<768xi32, #tpu.memory_space<vmem>>)
      tpu.yield
    }) : () -> ()
    %mul3A_7 = arith.constant 768 : i32
    %mul3A_8 = arith.muli %add3A, %mul3A_7 : i32
    "tpu.region"() ({
      %run_scoped3A = tpu.sem_alloc : memref<!tpu.dma_semaphore, #tpu.memory_space<semaphore_mem>>
      %dma_start3A = tpu.memref_slice %arg5[%mul3A_8] : memref<24576xi32, #tpu.memory_space<hbm>> -> memref<768xi32, #tpu.memory_space<hbm>>
      %dma_start3A_47 = tpu.memref_slice %arg5[%mul3A_8] : memref<24576xi32, #tpu.memory_space<hbm>> -> memref<768xi32, #tpu.memory_space<hbm>>
      tpu.enqueue_dma source(%dma_start3A_47 : memref<768xi32, #tpu.memory_space<hbm>>) target(%arg13 : memref<768xi32, #tpu.memory_space<vmem>>) target_semaphore(%run_scoped3A : memref<!tpu.dma_semaphore, #tpu.memory_space<semaphore_mem>>)
      %dma_wait3A = tpu.memref_slice %arg5[%mul3A_8] : memref<24576xi32, #tpu.memory_space<hbm>> -> memref<768xi32, #tpu.memory_space<hbm>>
      %dma_wait3A_48 = tpu.memref_slice %arg5[%mul3A_8] : memref<24576xi32, #tpu.memory_space<hbm>> -> memref<768xi32, #tpu.memory_space<hbm>>
      tpu.wait_dma2 semaphore(%run_scoped3A : memref<!tpu.dma_semaphore, #tpu.memory_space<semaphore_mem>>) src(%dma_wait3A_48 : memref<768xi32, #tpu.memory_space<hbm>>) dst(%arg13 : memref<768xi32, #tpu.memory_space<vmem>>)
      tpu.yield
    }) : () -> ()
    %broadcast_in_dim3A = arith.constant 0.000000e+00 : f32
    %broadcast_in_dim3A_9 = vector.broadcast %broadcast_in_dim3A : f32 to vector<16xf32>
    %scan3A = arith.constant 0 : i32
    %scan3A_10 = arith.constant 0 : i32
    %scan3A_11 = arith.constant 432 : i32
    %scan3A_12 = arith.addi %scan3A_10, %scan3A_11 : i32
    %scan3A_13 = arith.constant 1 : i32
    %scan3A_14 = scf.for %scan3A_47 = %scan3A_10 to %scan3A_12 step %scan3A_13 iter_args(%scan3A_48 = %scan3A) -> (i32)  : i32 {
      %mul3A_49 = arith.constant 128 : i32
      %mul3A_50 = arith.muli %scan3A_47, %mul3A_49 : i32
      %add3A_51 = arith.constant 0 : i32
      %add3A_52 = arith.addi %mul3A_50, %add3A_51 : i32
      %swap3A = arith.index_cast %add3A_52 : i32 to index
      %swap3A_53 = tpu.vector_load %arg8[%swap3A] {strides = array<i32>} : memref<55296xf32, #tpu.memory_space<vmem>>, vector<16xf32>,
      tpu.vector_store %arg8[%swap3A], %broadcast_in_dim3A_9 {strides = array<i32>} : memref<55296xf32, #tpu.memory_space<vmem>>, vector<16xf32>,
      %mul3A_54 = arith.constant 128 : i32
      %mul3A_55 = arith.muli %scan3A_47, %mul3A_54 : i32
      %add3A_56 = arith.constant 16 : i32
      %add3A_57 = arith.addi %mul3A_55, %add3A_56 : i32
      %swap3A_58 = arith.index_cast %add3A_57 : i32 to index
      %swap3A_59 = tpu.vector_load %arg8[%swap3A_58] {strides = array<i32>} : memref<55296xf32, #tpu.memory_space<vmem>>, vector<16xf32>,
      tpu.vector_store %arg8[%swap3A_58], %broadcast_in_dim3A_9 {strides = array<i32>} : memref<55296xf32, #tpu.memory_space<vmem>>, vector<16xf32>,
      %mul3A_60 = arith.constant 128 : i32
      %mul3A_61 = arith.muli %scan3A_47, %mul3A_60 : i32
      %add3A_62 = arith.constant 32 : i32
      %add3A_63 = arith.addi %mul3A_61, %add3A_62 : i32
      %swap3A_64 = arith.index_cast %add3A_63 : i32 to index
      %swap3A_65 = tpu.vector_load %arg8[%swap3A_64] {strides = array<i32>} : memref<55296xf32, #tpu.memory_space<vmem>>, vector<16xf32>,
      tpu.vector_store %arg8[%swap3A_64], %broadcast_in_dim3A_9 {strides = array<i32>} : memref<55296xf32, #tpu.memory_space<vmem>>, vector<16xf32>,
      %mul3A_66 = arith.constant 128 : i32
      %mul3A_67 = arith.muli %scan3A_47, %mul3A_66 : i32
      %add3A_68 = arith.constant 48 : i32
      %add3A_69 = arith.addi %mul3A_67, %add3A_68 : i32
      %swap3A_70 = arith.index_cast %add3A_69 : i32 to index
      %swap3A_71 = tpu.vector_load %arg8[%swap3A_70] {strides = array<i32>} : memref<55296xf32, #tpu.memory_space<vmem>>, vector<16xf32>,
      tpu.vector_store %arg8[%swap3A_70], %broadcast_in_dim3A_9 {strides = array<i32>} : memref<55296xf32, #tpu.memory_space<vmem>>, vector<16xf32>,
      %mul3A_72 = arith.constant 128 : i32
      %mul3A_73 = arith.muli %scan3A_47, %mul3A_72 : i32
      %add3A_74 = arith.constant 64 : i32
      %add3A_75 = arith.addi %mul3A_73, %add3A_74 : i32
      %swap3A_76 = arith.index_cast %add3A_75 : i32 to index
      %swap3A_77 = tpu.vector_load %arg8[%swap3A_76] {strides = array<i32>} : memref<55296xf32, #tpu.memory_space<vmem>>, vector<16xf32>,
      tpu.vector_store %arg8[%swap3A_76], %broadcast_in_dim3A_9 {strides = array<i32>} : memref<55296xf32, #tpu.memory_space<vmem>>, vector<16xf32>,
      %mul3A_78 = arith.constant 128 : i32
      %mul3A_79 = arith.muli %scan3A_47, %mul3A_78 : i32
      %add3A_80 = arith.constant 80 : i32
      %add3A_81 = arith.addi %mul3A_79, %add3A_80 : i32
      %swap3A_82 = arith.index_cast %add3A_81 : i32 to index
      %swap3A_83 = tpu.vector_load %arg8[%swap3A_82] {strides = array<i32>} : memref<55296xf32, #tpu.memory_space<vmem>>, vector<16xf32>,
      tpu.vector_store %arg8[%swap3A_82], %broadcast_in_dim3A_9 {strides = array<i32>} : memref<55296xf32, #tpu.memory_space<vmem>>, vector<16xf32>,
      %mul3A_84 = arith.constant 128 : i32
      %mul3A_85 = arith.muli %scan3A_47, %mul3A_84 : i32
      %add3A_86 = arith.constant 96 : i32
      %add3A_87 = arith.addi %mul3A_85, %add3A_86 : i32
      %swap3A_88 = arith.index_cast %add3A_87 : i32 to index
      %swap3A_89 = tpu.vector_load %arg8[%swap3A_88] {strides = array<i32>} : memref<55296xf32, #tpu.memory_space<vmem>>, vector<16xf32>,
      tpu.vector_store %arg8[%swap3A_88], %broadcast_in_dim3A_9 {strides = array<i32>} : memref<55296xf32, #tpu.memory_space<vmem>>, vector<16xf32>,
      %mul3A_90 = arith.constant 128 : i32
      %mul3A_91 = arith.muli %scan3A_47, %mul3A_90 : i32
      %add3A_92 = arith.constant 112 : i32
      %add3A_93 = arith.addi %mul3A_91, %add3A_92 : i32
      %swap3A_94 = arith.index_cast %add3A_93 : i32 to index
      %swap3A_95 = tpu.vector_load %arg8[%swap3A_94] {strides = array<i32>} : memref<55296xf32, #tpu.memory_space<vmem>>, vector<16xf32>,
      tpu.vector_store %arg8[%swap3A_94], %broadcast_in_dim3A_9 {strides = array<i32>} : memref<55296xf32, #tpu.memory_space<vmem>>, vector<16xf32>,
      %scan3A_96 = arith.constant 0 : i32
      scf.yield %scan3A_96 : i32
    }
    %scan3A_15 = arith.constant 432 : i32
    %scan3A_16 = arith.constant 0 : i32
    %scan3A_17 = arith.constant 0 : i32
    %scan3A_18 = arith.constant 36 : i32
    %scan3A_19 = arith.addi %scan3A_17, %scan3A_18 : i32
    %scan3A_20 = arith.constant 1 : i32
    %scan3A_21 = scf.for %scan3A_47 = %scan3A_17 to %scan3A_19 step %scan3A_20 iter_args(%scan3A_48 = %scan3A_16) -> (i32)  : i32 {
      %mul3A_49 = arith.constant 128 : i32
      %mul3A_50 = arith.muli %scan3A_47, %mul3A_49 : i32
      %add3A_51 = arith.constant 0 : i32
      %add3A_52 = arith.addi %mul3A_50, %add3A_51 : i32
      %swap3A = arith.index_cast %add3A_52 : i32 to index
      %swap3A_53 = tpu.vector_load %arg9[%swap3A] {strides = array<i32>} : memref<4608xf32, #tpu.memory_space<vmem>>, vector<16xf32>,
      tpu.vector_store %arg9[%swap3A], %broadcast_in_dim3A_9 {strides = array<i32>} : memref<4608xf32, #tpu.memory_space<vmem>>, vector<16xf32>,
      %mul3A_54 = arith.constant 128 : i32
      %mul3A_55 = arith.muli %scan3A_47, %mul3A_54 : i32
      %add3A_56 = arith.constant 16 : i32
      %add3A_57 = arith.addi %mul3A_55, %add3A_56 : i32
      %swap3A_58 = arith.index_cast %add3A_57 : i32 to index
      %swap3A_59 = tpu.vector_load %arg9[%swap3A_58] {strides = array<i32>} : memref<4608xf32, #tpu.memory_space<vmem>>, vector<16xf32>,
      tpu.vector_store %arg9[%swap3A_58], %broadcast_in_dim3A_9 {strides = array<i32>} : memref<4608xf32, #tpu.memory_space<vmem>>, vector<16xf32>,
      %mul3A_60 = arith.constant 128 : i32
      %mul3A_61 = arith.muli %scan3A_47, %mul3A_60 : i32
      %add3A_62 = arith.constant 32 : i32
      %add3A_63 = arith.addi %mul3A_61, %add3A_62 : i32
      %swap3A_64 = arith.index_cast %add3A_63 : i32 to index
      %swap3A_65 = tpu.vector_load %arg9[%swap3A_64] {strides = array<i32>} : memref<4608xf32, #tpu.memory_space<vmem>>, vector<16xf32>,
      tpu.vector_store %arg9[%swap3A_64], %broadcast_in_dim3A_9 {strides = array<i32>} : memref<4608xf32, #tpu.memory_space<vmem>>, vector<16xf32>,
      %mul3A_66 = arith.constant 128 : i32
      %mul3A_67 = arith.muli %scan3A_47, %mul3A_66 : i32
      %add3A_68 = arith.constant 48 : i32
      %add3A_69 = arith.addi %mul3A_67, %add3A_68 : i32
      %swap3A_70 = arith.index_cast %add3A_69 : i32 to index
      %swap3A_71 = tpu.vector_load %arg9[%swap3A_70] {strides = array<i32>} : memref<4608xf32, #tpu.memory_space<vmem>>, vector<16xf32>,
      tpu.vector_store %arg9[%swap3A_70], %broadcast_in_dim3A_9 {strides = array<i32>} : memref<4608xf32, #tpu.memory_space<vmem>>, vector<16xf32>,
      %mul3A_72 = arith.constant 128 : i32
      %mul3A_73 = arith.muli %scan3A_47, %mul3A_72 : i32
      %add3A_74 = arith.constant 64 : i32
      %add3A_75 = arith.addi %mul3A_73, %add3A_74 : i32
      %swap3A_76 = arith.index_cast %add3A_75 : i32 to index
      %swap3A_77 = tpu.vector_load %arg9[%swap3A_76] {strides = array<i32>} : memref<4608xf32, #tpu.memory_space<vmem>>, vector<16xf32>,
      tpu.vector_store %arg9[%swap3A_76], %broadcast_in_dim3A_9 {strides = array<i32>} : memref<4608xf32, #tpu.memory_space<vmem>>, vector<16xf32>,
      %mul3A_78 = arith.constant 128 : i32
      %mul3A_79 = arith.muli %scan3A_47, %mul3A_78 : i32
      %add3A_80 = arith.constant 80 : i32
      %add3A_81 = arith.addi %mul3A_79, %add3A_80 : i32
      %swap3A_82 = arith.index_cast %add3A_81 : i32 to index
      %swap3A_83 = tpu.vector_load %arg9[%swap3A_82] {strides = array<i32>} : memref<4608xf32, #tpu.memory_space<vmem>>, vector<16xf32>,
      tpu.vector_store %arg9[%swap3A_82], %broadcast_in_dim3A_9 {strides = array<i32>} : memref<4608xf32, #tpu.memory_space<vmem>>, vector<16xf32>,
      %mul3A_84 = arith.constant 128 : i32
      %mul3A_85 = arith.muli %scan3A_47, %mul3A_84 : i32
      %add3A_86 = arith.constant 96 : i32
      %add3A_87 = arith.addi %mul3A_85, %add3A_86 : i32
      %swap3A_88 = arith.index_cast %add3A_87 : i32 to index
      %swap3A_89 = tpu.vector_load %arg9[%swap3A_88] {strides = array<i32>} : memref<4608xf32, #tpu.memory_space<vmem>>, vector<16xf32>,
      tpu.vector_store %arg9[%swap3A_88], %broadcast_in_dim3A_9 {strides = array<i32>} : memref<4608xf32, #tpu.memory_space<vmem>>, vector<16xf32>,
      %mul3A_90 = arith.constant 128 : i32
      %mul3A_91 = arith.muli %scan3A_47, %mul3A_90 : i32
      %add3A_92 = arith.constant 112 : i32
      %add3A_93 = arith.addi %mul3A_91, %add3A_92 : i32
      %swap3A_94 = arith.index_cast %add3A_93 : i32 to index
      %swap3A_95 = tpu.vector_load %arg9[%swap3A_94] {strides = array<i32>} : memref<4608xf32, #tpu.memory_space<vmem>>, vector<16xf32>,
      tpu.vector_store %arg9[%swap3A_94], %broadcast_in_dim3A_9 {strides = array<i32>} : memref<4608xf32, #tpu.memory_space<vmem>>, vector<16xf32>,
      %scan3A_96 = arith.constant 0 : i32
      scf.yield %scan3A_96 : i32
    }
    %scan3A_22 = arith.constant 36 : i32
    %iota3A = tpu.iota {dimensions = array<i32: 0>} : vector<16xi32>
    %broadcast_in_dim3A_23 = arith.constant 1.000000e+00 : f32
    %broadcast_in_dim3A_24 = vector.broadcast %broadcast_in_dim3A_23 : f32 to vector<16xf32>
    %mul3A_25 = arith.constant 96 : i32
    %mul3A_26 = arith.muli %add3A, %mul3A_25 : i32
    %scan3A_27 = arith.constant 0 : i32
    %scan3A_28 = arith.constant 0 : i32
    %scan3A_29 = arith.constant 48 : i32
    %scan3A_30 = arith.addi %scan3A_28, %scan3A_29 : i32
    %scan3A_31 = arith.constant 1 : i32
    %scan3A_32 = scf.for %scan3A_47 = %scan3A_28 to %scan3A_30 step %scan3A_31 iter_args(%scan3A_48 = %scan3A_27) -> (i32)  : i32 {
      %add3A_49 = arith.constant 0 : i32
      %add3A_50 = vector.broadcast %add3A_49 : i32 to vector<16xi32>
      %add3A_51 = arith.addi %add3A_50, %iota3A : vector<16xi32>
      %mul3A_52 = arith.constant 48 : i32
      %mul3A_53 = vector.broadcast %mul3A_52 : i32 to vector<16xi32>
      %mul3A_54 = arith.muli %add3A_51, %mul3A_53 : vector<16xi32>
      %add3A_55 = vector.broadcast %scan3A_47 : i32 to vector<16xi32>
      %add3A_56 = arith.addi %mul3A_54, %add3A_55 : vector<16xi32>
      %gather3A = tpu.vector_load_idx %arg10[%add3A_56] : memref<4608xi32, #tpu.memory_space<vmem>>[vector<16xi32>], vector<16xi32>,
      %gather3A_57 = tpu.vector_load_idx %arg11[%add3A_56] : memref<4608xi32, #tpu.memory_space<vmem>>[vector<16xi32>], vector<16xi32>,
      %add3A_58 = vector.broadcast %mul3A_26 : i32 to vector<16xi32>
      %add3A_59 = arith.addi %add3A_58, %add3A_51 : vector<16xi32>
      %mul3A_60 = arith.constant 24 : i32
      %mul3A_61 = vector.broadcast %mul3A_60 : i32 to vector<16xi32>
      %mul3A_62 = arith.muli %add3A_59, %mul3A_61 : vector<16xi32>
      %sub3A = arith.subi %gather3A, %mul3A_62 : vector<16xi32>
      %sub3A_63 = arith.subi %gather3A_57, %mul3A_62 : vector<16xi32>
      %mul3A_64 = arith.constant 576 : i32
      %mul3A_65 = vector.broadcast %mul3A_64 : i32 to vector<16xi32>
      %mul3A_66 = arith.muli %add3A_51, %mul3A_65 : vector<16xi32>
      %mul3A_67 = arith.constant 24 : i32
      %mul3A_68 = vector.broadcast %mul3A_67 : i32 to vector<16xi32>
      %mul3A_69 = arith.muli %sub3A_63, %mul3A_68 : vector<16xi32>
      %add3A_70 = arith.addi %mul3A_66, %mul3A_69 : vector<16xi32>
      %add3A_71 = arith.addi %add3A_70, %sub3A : vector<16xi32>
      tpu.vector_store_idx %arg8[%add3A_71], %broadcast_in_dim3A_24 {add = true} : memref<55296xf32, #tpu.memory_space<vmem>>[vector<16xi32>], vector<16xf32>,
      %mul3A_72 = arith.constant 24 : i32
      %mul3A_73 = vector.broadcast %mul3A_72 : i32 to vector<16xi32>
      %mul3A_74 = arith.muli %sub3A, %mul3A_73 : vector<16xi32>
      %add3A_75 = arith.addi %mul3A_66, %mul3A_74 : vector<16xi32>
      %add3A_76 = arith.addi %add3A_75, %sub3A_63 : vector<16xi32>
      tpu.vector_store_idx %arg8[%add3A_76], %broadcast_in_dim3A_24 {add = true} : memref<55296xf32, #tpu.memory_space<vmem>>[vector<16xi32>], vector<16xf32>,
      %add3A_77 = arith.constant 16 : i32
      %add3A_78 = vector.broadcast %add3A_77 : i32 to vector<16xi32>
      %add3A_79 = arith.addi %add3A_78, %iota3A : vector<16xi32>
      %mul3A_80 = arith.constant 48 : i32
      %mul3A_81 = vector.broadcast %mul3A_80 : i32 to vector<16xi32>
      %mul3A_82 = arith.muli %add3A_79, %mul3A_81 : vector<16xi32>
      %add3A_83 = vector.broadcast %scan3A_47 : i32 to vector<16xi32>
      %add3A_84 = arith.addi %mul3A_82, %add3A_83 : vector<16xi32>
      %gather3A_85 = tpu.vector_load_idx %arg10[%add3A_84] : memref<4608xi32, #tpu.memory_space<vmem>>[vector<16xi32>], vector<16xi32>,
      %gather3A_86 = tpu.vector_load_idx %arg11[%add3A_84] : memref<4608xi32, #tpu.memory_space<vmem>>[vector<16xi32>], vector<16xi32>,
      %add3A_87 = vector.broadcast %mul3A_26 : i32 to vector<16xi32>
      %add3A_88 = arith.addi %add3A_87, %add3A_79 : vector<16xi32>
      %mul3A_89 = arith.constant 24 : i32
      %mul3A_90 = vector.broadcast %mul3A_89 : i32 to vector<16xi32>
      %mul3A_91 = arith.muli %add3A_88, %mul3A_90 : vector<16xi32>
      %sub3A_92 = arith.subi %gather3A_85, %mul3A_91 : vector<16xi32>
      %sub3A_93 = arith.subi %gather3A_86, %mul3A_91 : vector<16xi32>
      %mul3A_94 = arith.constant 576 : i32
      %mul3A_95 = vector.broadcast %mul3A_94 : i32 to vector<16xi32>
      %mul3A_96 = arith.muli %add3A_79, %mul3A_95 : vector<16xi32>
      %mul3A_97 = arith.constant 24 : i32
      %mul3A_98 = vector.broadcast %mul3A_97 : i32 to vector<16xi32>
      %mul3A_99 = arith.muli %sub3A_93, %mul3A_98 : vector<16xi32>
      %add3A_100 = arith.addi %mul3A_96, %mul3A_99 : vector<16xi32>
      %add3A_101 = arith.addi %add3A_100, %sub3A_92 : vector<16xi32>
      tpu.vector_store_idx %arg8[%add3A_101], %broadcast_in_dim3A_24 {add = true} : memref<55296xf32, #tpu.memory_space<vmem>>[vector<16xi32>], vector<16xf32>,
      %mul3A_102 = arith.constant 24 : i32
      %mul3A_103 = vector.broadcast %mul3A_102 : i32 to vector<16xi32>
      %mul3A_104 = arith.muli %sub3A_92, %mul3A_103 : vector<16xi32>
      %add3A_105 = arith.addi %mul3A_96, %mul3A_104 : vector<16xi32>
      %add3A_106 = arith.addi %add3A_105, %sub3A_93 : vector<16xi32>
      tpu.vector_store_idx %arg8[%add3A_106], %broadcast_in_dim3A_24 {add = true} : memref<55296xf32, #tpu.memory_space<vmem>>[vector<16xi32>], vector<16xf32>,
      %add3A_107 = arith.constant 32 : i32
      %add3A_108 = vector.broadcast %add3A_107 : i32 to vector<16xi32>
      %add3A_109 = arith.addi %add3A_108, %iota3A : vector<16xi32>
      %mul3A_110 = arith.constant 48 : i32
      %mul3A_111 = vector.broadcast %mul3A_110 : i32 to vector<16xi32>
      %mul3A_112 = arith.muli %add3A_109, %mul3A_111 : vector<16xi32>
      %add3A_113 = vector.broadcast %scan3A_47 : i32 to vector<16xi32>
      %add3A_114 = arith.addi %mul3A_112, %add3A_113 : vector<16xi32>
      %gather3A_115 = tpu.vector_load_idx %arg10[%add3A_114] : memref<4608xi32, #tpu.memory_space<vmem>>[vector<16xi32>], vector<16xi32>,
      %gather3A_116 = tpu.vector_load_idx %arg11[%add3A_114] : memref<4608xi32, #tpu.memory_space<vmem>>[vector<16xi32>], vector<16xi32>,
      %add3A_117 = vector.broadcast %mul3A_26 : i32 to vector<16xi32>
      %add3A_118 = arith.addi %add3A_117, %add3A_109 : vector<16xi32>
      %mul3A_119 = arith.constant 24 : i32
      %mul3A_120 = vector.broadcast %mul3A_119 : i32 to vector<16xi32>
      %mul3A_121 = arith.muli %add3A_118, %mul3A_120 : vector<16xi32>
      %sub3A_122 = arith.subi %gather3A_115, %mul3A_121 : vector<16xi32>
      %sub3A_123 = arith.subi %gather3A_116, %mul3A_121 : vector<16xi32>
      %mul3A_124 = arith.constant 576 : i32
      %mul3A_125 = vector.broadcast %mul3A_124 : i32 to vector<16xi32>
      %mul3A_126 = arith.muli %add3A_109, %mul3A_125 : vector<16xi32>
      %mul3A_127 = arith.constant 24 : i32
      %mul3A_128 = vector.broadcast %mul3A_127 : i32 to vector<16xi32>
      %mul3A_129 = arith.muli %sub3A_123, %mul3A_128 : vector<16xi32>
      %add3A_130 = arith.addi %mul3A_126, %mul3A_129 : vector<16xi32>
      %add3A_131 = arith.addi %add3A_130, %sub3A_122 : vector<16xi32>
      tpu.vector_store_idx %arg8[%add3A_131], %broadcast_in_dim3A_24 {add = true} : memref<55296xf32, #tpu.memory_space<vmem>>[vector<16xi32>], vector<16xf32>,
      %mul3A_132 = arith.constant 24 : i32
      %mul3A_133 = vector.broadcast %mul3A_132 : i32 to vector<16xi32>
      %mul3A_134 = arith.muli %sub3A_122, %mul3A_133 : vector<16xi32>
      %add3A_135 = arith.addi %mul3A_126, %mul3A_134 : vector<16xi32>
      %add3A_136 = arith.addi %add3A_135, %sub3A_123 : vector<16xi32>
      tpu.vector_store_idx %arg8[%add3A_136], %broadcast_in_dim3A_24 {add = true} : memref<55296xf32, #tpu.memory_space<vmem>>[vector<16xi32>], vector<16xf32>,
      %add3A_137 = arith.constant 48 : i32
      %add3A_138 = vector.broadcast %add3A_137 : i32 to vector<16xi32>
      %add3A_139 = arith.addi %add3A_138, %iota3A : vector<16xi32>
      %mul3A_140 = arith.constant 48 : i32
      %mul3A_141 = vector.broadcast %mul3A_140 : i32 to vector<16xi32>
      %mul3A_142 = arith.muli %add3A_139, %mul3A_141 : vector<16xi32>
      %add3A_143 = vector.broadcast %scan3A_47 : i32 to vector<16xi32>
      %add3A_144 = arith.addi %mul3A_142, %add3A_143 : vector<16xi32>
      %gather3A_145 = tpu.vector_load_idx %arg10[%add3A_144] : memref<4608xi32, #tpu.memory_space<vmem>>[vector<16xi32>], vector<16xi32>,
      %gather3A_146 = tpu.vector_load_idx %arg11[%add3A_144] : memref<4608xi32, #tpu.memory_space<vmem>>[vector<16xi32>], vector<16xi32>,
      %add3A_147 = vector.broadcast %mul3A_26 : i32 to vector<16xi32>
      %add3A_148 = arith.addi %add3A_147, %add3A_139 : vector<16xi32>
      %mul3A_149 = arith.constant 24 : i32
      %mul3A_150 = vector.broadcast %mul3A_149 : i32 to vector<16xi32>
      %mul3A_151 = arith.muli %add3A_148, %mul3A_150 : vector<16xi32>
      %sub3A_152 = arith.subi %gather3A_145, %mul3A_151 : vector<16xi32>
      %sub3A_153 = arith.subi %gather3A_146, %mul3A_151 : vector<16xi32>
      %mul3A_154 = arith.constant 576 : i32
      %mul3A_155 = vector.broadcast %mul3A_154 : i32 to vector<16xi32>
      %mul3A_156 = arith.muli %add3A_139, %mul3A_155 : vector<16xi32>
      %mul3A_157 = arith.constant 24 : i32
      %mul3A_158 = vector.broadcast %mul3A_157 : i32 to vector<16xi32>
      %mul3A_159 = arith.muli %sub3A_153, %mul3A_158 : vector<16xi32>
      %add3A_160 = arith.addi %mul3A_156, %mul3A_159 : vector<16xi32>
      %add3A_161 = arith.addi %add3A_160, %sub3A_152 : vector<16xi32>
      tpu.vector_store_idx %arg8[%add3A_161], %broadcast_in_dim3A_24 {add = true} : memref<55296xf32, #tpu.memory_space<vmem>>[vector<16xi32>], vector<16xf32>,
      %mul3A_162 = arith.constant 24 : i32
      %mul3A_163 = vector.broadcast %mul3A_162 : i32 to vector<16xi32>
      %mul3A_164 = arith.muli %sub3A_152, %mul3A_163 : vector<16xi32>
      %add3A_165 = arith.addi %mul3A_156, %mul3A_164 : vector<16xi32>
      %add3A_166 = arith.addi %add3A_165, %sub3A_153 : vector<16xi32>
      tpu.vector_store_idx %arg8[%add3A_166], %broadcast_in_dim3A_24 {add = true} : memref<55296xf32, #tpu.memory_space<vmem>>[vector<16xi32>], vector<16xf32>,
      %add3A_167 = arith.constant 64 : i32
      %add3A_168 = vector.broadcast %add3A_167 : i32 to vector<16xi32>
      %add3A_169 = arith.addi %add3A_168, %iota3A : vector<16xi32>
      %mul3A_170 = arith.constant 48 : i32
      %mul3A_171 = vector.broadcast %mul3A_170 : i32 to vector<16xi32>
      %mul3A_172 = arith.muli %add3A_169, %mul3A_171 : vector<16xi32>
      %add3A_173 = vector.broadcast %scan3A_47 : i32 to vector<16xi32>
      %add3A_174 = arith.addi %mul3A_172, %add3A_173 : vector<16xi32>
      %gather3A_175 = tpu.vector_load_idx %arg10[%add3A_174] : memref<4608xi32, #tpu.memory_space<vmem>>[vector<16xi32>], vector<16xi32>,
      %gather3A_176 = tpu.vector_load_idx %arg11[%add3A_174] : memref<4608xi32, #tpu.memory_space<vmem>>[vector<16xi32>], vector<16xi32>,
      %add3A_177 = vector.broadcast %mul3A_26 : i32 to vector<16xi32>
      %add3A_178 = arith.addi %add3A_177, %add3A_169 : vector<16xi32>
      %mul3A_179 = arith.constant 24 : i32
      %mul3A_180 = vector.broadcast %mul3A_179 : i32 to vector<16xi32>
      %mul3A_181 = arith.muli %add3A_178, %mul3A_180 : vector<16xi32>
      %sub3A_182 = arith.subi %gather3A_175, %mul3A_181 : vector<16xi32>
      %sub3A_183 = arith.subi %gather3A_176, %mul3A_181 : vector<16xi32>
      %mul3A_184 = arith.constant 576 : i32
      %mul3A_185 = vector.broadcast %mul3A_184 : i32 to vector<16xi32>
      %mul3A_186 = arith.muli %add3A_169, %mul3A_185 : vector<16xi32>
      %mul3A_187 = arith.constant 24 : i32
      %mul3A_188 = vector.broadcast %mul3A_187 : i32 to vector<16xi32>
      %mul3A_189 = arith.muli %sub3A_183, %mul3A_188 : vector<16xi32>
      %add3A_190 = arith.addi %mul3A_186, %mul3A_189 : vector<16xi32>
      %add3A_191 = arith.addi %add3A_190, %sub3A_182 : vector<16xi32>
      tpu.vector_store_idx %arg8[%add3A_191], %broadcast_in_dim3A_24 {add = true} : memref<55296xf32, #tpu.memory_space<vmem>>[vector<16xi32>], vector<16xf32>,
      %mul3A_192 = arith.constant 24 : i32
      %mul3A_193 = vector.broadcast %mul3A_192 : i32 to vector<16xi32>
      %mul3A_194 = arith.muli %sub3A_182, %mul3A_193 : vector<16xi32>
      %add3A_195 = arith.addi %mul3A_186, %mul3A_194 : vector<16xi32>
      %add3A_196 = arith.addi %add3A_195, %sub3A_183 : vector<16xi32>
      tpu.vector_store_idx %arg8[%add3A_196], %broadcast_in_dim3A_24 {add = true} : memref<55296xf32, #tpu.memory_space<vmem>>[vector<16xi32>], vector<16xf32>,
      %add3A_197 = arith.constant 80 : i32
      %add3A_198 = vector.broadcast %add3A_197 : i32 to vector<16xi32>
      %add3A_199 = arith.addi %add3A_198, %iota3A : vector<16xi32>
      %mul3A_200 = arith.constant 48 : i32
      %mul3A_201 = vector.broadcast %mul3A_200 : i32 to vector<16xi32>
      %mul3A_202 = arith.muli %add3A_199, %mul3A_201 : vector<16xi32>
      %add3A_203 = vector.broadcast %scan3A_47 : i32 to vector<16xi32>
      %add3A_204 = arith.addi %mul3A_202, %add3A_203 : vector<16xi32>
      %gather3A_205 = tpu.vector_load_idx %arg10[%add3A_204] : memref<4608xi32, #tpu.memory_space<vmem>>[vector<16xi32>], vector<16xi32>,
      %gather3A_206 = tpu.vector_load_idx %arg11[%add3A_204] : memref<4608xi32, #tpu.memory_space<vmem>>[vector<16xi32>], vector<16xi32>,
      %add3A_207 = vector.broadcast %mul3A_26 : i32 to vector<16xi32>
      %add3A_208 = arith.addi %add3A_207, %add3A_199 : vector<16xi32>
      %mul3A_209 = arith.constant 24 : i32
      %mul3A_210 = vector.broadcast %mul3A_209 : i32 to vector<16xi32>
      %mul3A_211 = arith.muli %add3A_208, %mul3A_210 : vector<16xi32>
      %sub3A_212 = arith.subi %gather3A_205, %mul3A_211 : vector<16xi32>
      %sub3A_213 = arith.subi %gather3A_206, %mul3A_211 : vector<16xi32>
      %mul3A_214 = arith.constant 576 : i32
      %mul3A_215 = vector.broadcast %mul3A_214 : i32 to vector<16xi32>
      %mul3A_216 = arith.muli %add3A_199, %mul3A_215 : vector<16xi32>
      %mul3A_217 = arith.constant 24 : i32
      %mul3A_218 = vector.broadcast %mul3A_217 : i32 to vector<16xi32>
      %mul3A_219 = arith.muli %sub3A_213, %mul3A_218 : vector<16xi32>
      %add3A_220 = arith.addi %mul3A_216, %mul3A_219 : vector<16xi32>
      %add3A_221 = arith.addi %add3A_220, %sub3A_212 : vector<16xi32>
      tpu.vector_store_idx %arg8[%add3A_221], %broadcast_in_dim3A_24 {add = true} : memref<55296xf32, #tpu.memory_space<vmem>>[vector<16xi32>], vector<16xf32>,
      %mul3A_222 = arith.constant 24 : i32
      %mul3A_223 = vector.broadcast %mul3A_222 : i32 to vector<16xi32>
      %mul3A_224 = arith.muli %sub3A_212, %mul3A_223 : vector<16xi32>
      %add3A_225 = arith.addi %mul3A_216, %mul3A_224 : vector<16xi32>
      %add3A_226 = arith.addi %add3A_225, %sub3A_213 : vector<16xi32>
      tpu.vector_store_idx %arg8[%add3A_226], %broadcast_in_dim3A_24 {add = true} : memref<55296xf32, #tpu.memory_space<vmem>>[vector<16xi32>], vector<16xf32>,
      %scan3A_227 = arith.constant 0 : i32
      scf.yield %scan3A_227 : i32
    }
    %scan3A_33 = arith.constant 48 : i32
    %mul3A_34 = arith.constant 32 : i32
    %mul3A_35 = arith.muli %add3A, %mul3A_34 : i32
    %scan3A_36 = arith.constant 0 : i32
    %scan3A_37 = arith.constant 0 : i32
    %scan3A_38 = arith.constant 24 : i32
    %scan3A_39 = arith.addi %scan3A_37, %scan3A_38 : i32
    %scan3A_40 = arith.constant 1 : i32
    %scan3A_41 = scf.for %scan3A_47 = %scan3A_37 to %scan3A_39 step %scan3A_40 iter_args(%scan3A_48 = %scan3A_36) -> (i32)  : i32 {
      %add3A_49 = arith.constant 0 : i32
      %add3A_50 = vector.broadcast %add3A_49 : i32 to vector<16xi32>
      %add3A_51 = arith.addi %add3A_50, %iota3A : vector<16xi32>
      %mul3A_52 = arith.constant 24 : i32
      %mul3A_53 = vector.broadcast %mul3A_52 : i32 to vector<16xi32>
      %mul3A_54 = arith.muli %add3A_51, %mul3A_53 : vector<16xi32>
      %add3A_55 = vector.broadcast %scan3A_47 : i32 to vector<16xi32>
      %add3A_56 = arith.addi %mul3A_54, %add3A_55 : vector<16xi32>
      %gather3A = tpu.vector_load_idx %arg12[%add3A_56] : memref<768xi32, #tpu.memory_space<vmem>>[vector<16xi32>], vector<16xi32>,
      %gather3A_57 = tpu.vector_load_idx %arg13[%add3A_56] : memref<768xi32, #tpu.memory_space<vmem>>[vector<16xi32>], vector<16xi32>,
      %add3A_58 = vector.broadcast %mul3A_35 : i32 to vector<16xi32>
      %add3A_59 = arith.addi %add3A_58, %add3A_51 : vector<16xi32>
      %mul3A_60 = arith.constant 12 : i32
      %mul3A_61 = vector.broadcast %mul3A_60 : i32 to vector<16xi32>
      %mul3A_62 = arith.muli %add3A_59, %mul3A_61 : vector<16xi32>
      %sub3A = arith.subi %gather3A, %mul3A_62 : vector<16xi32>
      %sub3A_63 = arith.subi %gather3A_57, %mul3A_62 : vector<16xi32>
      %mul3A_64 = arith.constant 144 : i32
      %mul3A_65 = vector.broadcast %mul3A_64 : i32 to vector<16xi32>
      %mul3A_66 = arith.muli %add3A_51, %mul3A_65 : vector<16xi32>
      %mul3A_67 = arith.constant 12 : i32
      %mul3A_68 = vector.broadcast %mul3A_67 : i32 to vector<16xi32>
      %mul3A_69 = arith.muli %sub3A_63, %mul3A_68 : vector<16xi32>
      %add3A_70 = arith.addi %mul3A_66, %mul3A_69 : vector<16xi32>
      %add3A_71 = arith.addi %add3A_70, %sub3A : vector<16xi32>
      tpu.vector_store_idx %arg9[%add3A_71], %broadcast_in_dim3A_24 {add = true} : memref<4608xf32, #tpu.memory_space<vmem>>[vector<16xi32>], vector<16xf32>,
      %mul3A_72 = arith.constant 12 : i32
      %mul3A_73 = vector.broadcast %mul3A_72 : i32 to vector<16xi32>
      %mul3A_74 = arith.muli %sub3A, %mul3A_73 : vector<16xi32>
      %add3A_75 = arith.addi %mul3A_66, %mul3A_74 : vector<16xi32>
      %add3A_76 = arith.addi %add3A_75, %sub3A_63 : vector<16xi32>
      tpu.vector_store_idx %arg9[%add3A_76], %broadcast_in_dim3A_24 {add = true} : memref<4608xf32, #tpu.memory_space<vmem>>[vector<16xi32>], vector<16xf32>,
      %add3A_77 = arith.constant 16 : i32
      %add3A_78 = vector.broadcast %add3A_77 : i32 to vector<16xi32>
      %add3A_79 = arith.addi %add3A_78, %iota3A : vector<16xi32>
      %mul3A_80 = arith.constant 24 : i32
      %mul3A_81 = vector.broadcast %mul3A_80 : i32 to vector<16xi32>
      %mul3A_82 = arith.muli %add3A_79, %mul3A_81 : vector<16xi32>
      %add3A_83 = vector.broadcast %scan3A_47 : i32 to vector<16xi32>
      %add3A_84 = arith.addi %mul3A_82, %add3A_83 : vector<16xi32>
      %gather3A_85 = tpu.vector_load_idx %arg12[%add3A_84] : memref<768xi32, #tpu.memory_space<vmem>>[vector<16xi32>], vector<16xi32>,
      %gather3A_86 = tpu.vector_load_idx %arg13[%add3A_84] : memref<768xi32, #tpu.memory_space<vmem>>[vector<16xi32>], vector<16xi32>,
      %add3A_87 = vector.broadcast %mul3A_35 : i32 to vector<16xi32>
      %add3A_88 = arith.addi %add3A_87, %add3A_79 : vector<16xi32>
      %mul3A_89 = arith.constant 12 : i32
      %mul3A_90 = vector.broadcast %mul3A_89 : i32 to vector<16xi32>
      %mul3A_91 = arith.muli %add3A_88, %mul3A_90 : vector<16xi32>
      %sub3A_92 = arith.subi %gather3A_85, %mul3A_91 : vector<16xi32>
      %sub3A_93 = arith.subi %gather3A_86, %mul3A_91 : vector<16xi32>
      %mul3A_94 = arith.constant 144 : i32
      %mul3A_95 = vector.broadcast %mul3A_94 : i32 to vector<16xi32>
      %mul3A_96 = arith.muli %add3A_79, %mul3A_95 : vector<16xi32>
      %mul3A_97 = arith.constant 12 : i32
      %mul3A_98 = vector.broadcast %mul3A_97 : i32 to vector<16xi32>
      %mul3A_99 = arith.muli %sub3A_93, %mul3A_98 : vector<16xi32>
      %add3A_100 = arith.addi %mul3A_96, %mul3A_99 : vector<16xi32>
      %add3A_101 = arith.addi %add3A_100, %sub3A_92 : vector<16xi32>
      tpu.vector_store_idx %arg9[%add3A_101], %broadcast_in_dim3A_24 {add = true} : memref<4608xf32, #tpu.memory_space<vmem>>[vector<16xi32>], vector<16xf32>,
      %mul3A_102 = arith.constant 12 : i32
      %mul3A_103 = vector.broadcast %mul3A_102 : i32 to vector<16xi32>
      %mul3A_104 = arith.muli %sub3A_92, %mul3A_103 : vector<16xi32>
      %add3A_105 = arith.addi %mul3A_96, %mul3A_104 : vector<16xi32>
      %add3A_106 = arith.addi %add3A_105, %sub3A_93 : vector<16xi32>
      tpu.vector_store_idx %arg9[%add3A_106], %broadcast_in_dim3A_24 {add = true} : memref<4608xf32, #tpu.memory_space<vmem>>[vector<16xi32>], vector<16xf32>,
      %scan3A_107 = arith.constant 0 : i32
      scf.yield %scan3A_107 : i32
    }
    %scan3A_42 = arith.constant 24 : i32
    %mul3A_43 = arith.constant 55296 : i32
    %mul3A_44 = arith.muli %add3A, %mul3A_43 : i32
    "tpu.region"() ({
      %run_scoped3A = tpu.sem_alloc : memref<!tpu.dma_semaphore, #tpu.memory_space<semaphore_mem>>
      %dma_start3A = tpu.memref_slice %arg6[%mul3A_44] : memref<1769472xf32, #tpu.memory_space<hbm>> -> memref<55296xf32, #tpu.memory_space<hbm>>
      %dma_start3A_47 = tpu.memref_slice %arg6[%mul3A_44] : memref<1769472xf32, #tpu.memory_space<hbm>> -> memref<55296xf32, #tpu.memory_space<hbm>>
      tpu.enqueue_dma source(%arg8 : memref<55296xf32, #tpu.memory_space<vmem>>) target(%dma_start3A_47 : memref<55296xf32, #tpu.memory_space<hbm>>) target_semaphore(%run_scoped3A : memref<!tpu.dma_semaphore, #tpu.memory_space<semaphore_mem>>)
      %dma_wait3A = tpu.memref_slice %arg6[%mul3A_44] : memref<1769472xf32, #tpu.memory_space<hbm>> -> memref<55296xf32, #tpu.memory_space<hbm>>
      %dma_wait3A_48 = tpu.memref_slice %arg6[%mul3A_44] : memref<1769472xf32, #tpu.memory_space<hbm>> -> memref<55296xf32, #tpu.memory_space<hbm>>
      tpu.wait_dma2 semaphore(%run_scoped3A : memref<!tpu.dma_semaphore, #tpu.memory_space<semaphore_mem>>) src(%arg8 : memref<55296xf32, #tpu.memory_space<vmem>>) dst(%dma_wait3A_48 : memref<55296xf32, #tpu.memory_space<hbm>>)
      tpu.yield
    }) : () -> ()
    %mul3A_45 = arith.constant 4608 : i32
    %mul3A_46 = arith.muli %add3A, %mul3A_45 : i32
    "tpu.region"() ({
      %run_scoped3A = tpu.sem_alloc : memref<!tpu.dma_semaphore, #tpu.memory_space<semaphore_mem>>
      %dma_start3A = tpu.memref_slice %arg7[%mul3A_46] : memref<147456xf32, #tpu.memory_space<hbm>> -> memref<4608xf32, #tpu.memory_space<hbm>>
      %dma_start3A_47 = tpu.memref_slice %arg7[%mul3A_46] : memref<147456xf32, #tpu.memory_space<hbm>> -> memref<4608xf32, #tpu.memory_space<hbm>>
      tpu.enqueue_dma source(%arg9 : memref<4608xf32, #tpu.memory_space<vmem>>) target(%dma_start3A_47 : memref<4608xf32, #tpu.memory_space<hbm>>) target_semaphore(%run_scoped3A : memref<!tpu.dma_semaphore, #tpu.memory_space<semaphore_mem>>)
      %dma_wait3A = tpu.memref_slice %arg7[%mul3A_46] : memref<147456xf32, #tpu.memory_space<hbm>> -> memref<4608xf32, #tpu.memory_space<hbm>>
      %dma_wait3A_48 = tpu.memref_slice %arg7[%mul3A_46] : memref<147456xf32, #tpu.memory_space<hbm>> -> memref<4608xf32, #tpu.memory_space<hbm>>
      tpu.wait_dma2 semaphore(%run_scoped3A : memref<!tpu.dma_semaphore, #tpu.memory_space<semaphore_mem>>) src(%arg9 : memref<4608xf32, #tpu.memory_space<vmem>>) dst(%dma_wait3A_48 : memref<4608xf32, #tpu.memory_space<hbm>>)
      tpu.yield
    }) : () -> ()
    return
  }
}

module attributes {stable_mosaic.version = 14 : i64} {
  func.func @_mpnn_kernel(%arg0: i32, %arg1: memref<1536x64xf32, #tpu.memory_space<vmem>>, %arg2: memref<1536x24xf32, #tpu.memory_space<vmem>>, %arg3: memref<64x300xf32, #tpu.memory_space<vmem>>, %arg4: memref<1x300xf32, #tpu.memory_space<vmem>>, %arg5: memref<300x300xf32, #tpu.memory_space<vmem>>, %arg6: memref<1x300xf32, #tpu.memory_space<vmem>>, %arg7: memref<1x300xf32, #tpu.memory_space<vmem>>, %arg8: memref<64x300xf32, #tpu.memory_space<vmem>>) attributes {dimension_semantics = [#tpu.dimension_semantics<arbitrary>], iteration_bounds = array<i64: 48>, scalar_prefetch = 0 : i64, scratch_operands = 0 : i64, tpu.core_type = #tpu.core_type<tc>, window_params = [{transform_indices = @transform_0, window_bounds = array<i64: 1536, 64>}, {transform_indices = @transform_1, window_bounds = array<i64: 1536, 24>}, {pipeline_mode = #tpu.pipeline_mode<synchronous>, transform_indices = @transform_2, window_bounds = array<i64: 64, 300>}, {pipeline_mode = #tpu.pipeline_mode<synchronous>, transform_indices = @transform_3, window_bounds = array<i64: 1, 300>}, {pipeline_mode = #tpu.pipeline_mode<synchronous>, transform_indices = @transform_4, window_bounds = array<i64: 300, 300>}, {pipeline_mode = #tpu.pipeline_mode<synchronous>, transform_indices = @transform_5, window_bounds = array<i64: 1, 300>}, {pipeline_mode = #tpu.pipeline_mode<synchronous>, transform_indices = @transform_6, window_bounds = array<i64: 1, 300>}, {transform_indices = @transform_7, window_bounds = array<i64: 64, 300>}]} {
    %iota3A = tpu.iota {dimensions = array<i32: 1>} : vector<24x384xi32>
    %iota3A_0 = tpu.iota {dimensions = array<i32: 0>} : vector<24x384xi32>
    %jit3A = arith.constant 24 : i32
    %eq3A = arith.constant 0 : i32
    %eq3A_1 = arith.cmpi eq, %jit3A, %eq3A : i32
    %jit3A_2 = arith.constant 1 : i32
    %select_n3A = arith.select %eq3A_1, %jit3A_2, %jit3A : i32
    %rem3A = vector.broadcast %select_n3A : i32 to vector<24x384xi32>
    %rem3A_3 = arith.remsi %iota3A, %rem3A : vector<24x384xi32>
    %ne3A = arith.constant 0 : i32
    %ne3A_4 = vector.broadcast %ne3A : i32 to vector<24x384xi32>
    %ne3A_5 = arith.cmpi ne, %rem3A_3, %ne3A_4 : vector<24x384xi32>
    %lt3A = arith.constant 0 : i32
    %lt3A_6 = vector.broadcast %lt3A : i32 to vector<24x384xi32>
    %lt3A_7 = arith.cmpi slt, %rem3A_3, %lt3A_6 : vector<24x384xi32>
    %lt3A_8 = arith.constant 0 : i32
    %lt3A_9 = arith.cmpi slt, %select_n3A, %lt3A_8 : i32
    %ne3A_10 = vector.broadcast %lt3A_9 : i1 to vector<24x384xi1>
    %ne3A_11 = vector.broadcast %ne3A_10 : vector<24x384xi1> to vector<24x384xi1>
    %ne3A_12 = arith.xori %lt3A_7, %ne3A_11 : vector<24x384xi1>
    %and3A = arith.andi %ne3A_12, %ne3A_5 : vector<24x384xi1>
    %add3A = vector.broadcast %select_n3A : i32 to vector<24x384xi32>
    %add3A_13 = arith.addi %rem3A_3, %add3A : vector<24x384xi32>
    %select_n3A_14 = arith.select %and3A, %add3A_13, %rem3A_3 : vector<24x384xi1>, vector<24x384xi32>
    %eq3A_15 = arith.cmpi eq, %select_n3A_14, %iota3A_0 : vector<24x384xi32>
    %convert_element_type3A = arith.extui %eq3A_15 : vector<24x384xi1> to vector<24x384xi32>
    %convert_element_type3A_16 = arith.sitofp %convert_element_type3A : vector<24x384xi32> to vector<24x384xf32>
    %iota3A_17 = tpu.iota {dimensions = array<i32: 0>} : vector<384x384xi32>
    %iota3A_18 = tpu.iota {dimensions = array<i32: 1>} : vector<384x384xi32>
    %jit3A_19 = arith.constant 24 : i32
    %div3A = vector.broadcast %jit3A_19 : i32 to vector<384x384xi32>
    %div3A_20 = arith.divsi %iota3A_17, %div3A : vector<384x384xi32>
    %sign3A = arith.constant 0 : i32
    %sign3A_21 = vector.broadcast %sign3A : i32 to vector<384x384xi32>
    %sign3A_22 = arith.cmpi sgt, %iota3A_17, %sign3A_21 : vector<384x384xi32>
    %sign3A_23 = arith.extui %sign3A_22 : vector<384x384xi1> to vector<384x384xi32>
    %sign3A_24 = arith.constant 0 : i32
    %sign3A_25 = vector.broadcast %sign3A_24 : i32 to vector<384x384xi32>
    %sign3A_26 = arith.cmpi slt, %iota3A_17, %sign3A_25 : vector<384x384xi32>
    %sign3A_27 = arith.extui %sign3A_26 : vector<384x384xi1> to vector<384x384xi32>
    %sign3A_28 = arith.subi %sign3A_23, %sign3A_27 : vector<384x384xi32>
    %sign3A_29 = arith.constant 0 : i32
    %sign3A_30 = arith.cmpi sgt, %jit3A_19, %sign3A_29 : i32
    %sign3A_31 = arith.extui %sign3A_30 : i1 to i32
    %sign3A_32 = arith.constant 0 : i32
    %sign3A_33 = arith.cmpi slt, %jit3A_19, %sign3A_32 : i32
    %sign3A_34 = arith.extui %sign3A_33 : i1 to i32
    %sign3A_35 = arith.subi %sign3A_31, %sign3A_34 : i32
    %ne3A_36 = vector.broadcast %sign3A_35 : i32 to vector<384x384xi32>
    %ne3A_37 = arith.cmpi ne, %sign3A_28, %ne3A_36 : vector<384x384xi32>
    %rem3A_38 = vector.broadcast %jit3A_19 : i32 to vector<384x384xi32>
    %rem3A_39 = arith.remsi %iota3A_17, %rem3A_38 : vector<384x384xi32>
    %ne3A_40 = arith.constant 0 : i32
    %ne3A_41 = vector.broadcast %ne3A_40 : i32 to vector<384x384xi32>
    %ne3A_42 = arith.cmpi ne, %rem3A_39, %ne3A_41 : vector<384x384xi32>
    %and3A_43 = arith.andi %ne3A_37, %ne3A_42 : vector<384x384xi1>
    %sub3A = arith.constant 1 : i32
    %sub3A_44 = vector.broadcast %sub3A : i32 to vector<384x384xi32>
    %sub3A_45 = arith.subi %div3A_20, %sub3A_44 : vector<384x384xi32>
    %select_n3A_46 = arith.select %and3A_43, %sub3A_45, %div3A_20 : vector<384x384xi1>, vector<384x384xi32>
    %jit3A_47 = arith.constant 24 : i32
    %div3A_48 = vector.broadcast %jit3A_47 : i32 to vector<384x384xi32>
    %div3A_49 = arith.divsi %iota3A_18, %div3A_48 : vector<384x384xi32>
    %sign3A_50 = arith.constant 0 : i32
    %sign3A_51 = vector.broadcast %sign3A_50 : i32 to vector<384x384xi32>
    %sign3A_52 = arith.cmpi sgt, %iota3A_18, %sign3A_51 : vector<384x384xi32>
    %sign3A_53 = arith.extui %sign3A_52 : vector<384x384xi1> to vector<384x384xi32>
    %sign3A_54 = arith.constant 0 : i32
    %sign3A_55 = vector.broadcast %sign3A_54 : i32 to vector<384x384xi32>
    %sign3A_56 = arith.cmpi slt, %iota3A_18, %sign3A_55 : vector<384x384xi32>
    %sign3A_57 = arith.extui %sign3A_56 : vector<384x384xi1> to vector<384x384xi32>
    %sign3A_58 = arith.subi %sign3A_53, %sign3A_57 : vector<384x384xi32>
    %sign3A_59 = arith.constant 0 : i32
    %sign3A_60 = arith.cmpi sgt, %jit3A_47, %sign3A_59 : i32
    %sign3A_61 = arith.extui %sign3A_60 : i1 to i32
    %sign3A_62 = arith.constant 0 : i32
    %sign3A_63 = arith.cmpi slt, %jit3A_47, %sign3A_62 : i32
    %sign3A_64 = arith.extui %sign3A_63 : i1 to i32
    %sign3A_65 = arith.subi %sign3A_61, %sign3A_64 : i32
    %ne3A_66 = vector.broadcast %sign3A_65 : i32 to vector<384x384xi32>
    %ne3A_67 = arith.cmpi ne, %sign3A_58, %ne3A_66 : vector<384x384xi32>
    %rem3A_68 = vector.broadcast %jit3A_47 : i32 to vector<384x384xi32>
    %rem3A_69 = arith.remsi %iota3A_18, %rem3A_68 : vector<384x384xi32>
    %ne3A_70 = arith.constant 0 : i32
    %ne3A_71 = vector.broadcast %ne3A_70 : i32 to vector<384x384xi32>
    %ne3A_72 = arith.cmpi ne, %rem3A_69, %ne3A_71 : vector<384x384xi32>
    %and3A_73 = arith.andi %ne3A_67, %ne3A_72 : vector<384x384xi1>
    %sub3A_74 = arith.constant 1 : i32
    %sub3A_75 = vector.broadcast %sub3A_74 : i32 to vector<384x384xi32>
    %sub3A_76 = arith.subi %div3A_49, %sub3A_75 : vector<384x384xi32>
    %select_n3A_77 = arith.select %and3A_73, %sub3A_76, %div3A_49 : vector<384x384xi1>, vector<384x384xi32>
    %eq3A_78 = arith.cmpi eq, %select_n3A_46, %select_n3A_77 : vector<384x384xi32>
    %convert_element_type3A_79 = arith.extui %eq3A_78 : vector<384x384xi1> to vector<384x384xi32>
    %convert_element_type3A_80 = arith.sitofp %convert_element_type3A_79 : vector<384x384xi32> to vector<384x384xf32>
    %get3A = arith.constant 0 : index
    %get3A_81 = arith.constant 0 : index
    %get3A_82 = vector.load %arg3[%get3A, %get3A_81] : memref<64x300xf32, #tpu.memory_space<vmem>>, vector<64x300xf32>
    %get3A_83 = arith.constant 0 : index
    %get3A_84 = arith.constant 0 : index
    %get3A_85 = vector.load %arg4[%get3A_83, %get3A_84] : memref<1x300xf32, #tpu.memory_space<vmem>>, vector<1x300xf32>
    %get3A_86 = arith.constant 0 : index
    %get3A_87 = arith.constant 0 : index
    %get3A_88 = vector.load %arg5[%get3A_86, %get3A_87] : memref<300x300xf32, #tpu.memory_space<vmem>>, vector<300x300xf32>
    %get3A_89 = arith.constant 0 : index
    %get3A_90 = arith.constant 0 : index
    %get3A_91 = vector.load %arg6[%get3A_89, %get3A_90] : memref<1x300xf32, #tpu.memory_space<vmem>>, vector<1x300xf32>
    %get3A_92 = arith.constant 0 : index
    %get3A_93 = arith.constant 0 : index
    %get3A_94 = vector.load %arg7[%get3A_92, %get3A_93] : memref<1x300xf32, #tpu.memory_space<vmem>>, vector<1x300xf32>
    %reshape3A = vector.shape_cast %get3A_94 : vector<1x300xf32> to vector<1x1x300xf32>
    %convert_element_type3A_95 = arith.truncf %reshape3A : vector<1x1x300xf32> to vector<1x1x300xbf16>
    %convert_element_type3A_96 = arith.extf %convert_element_type3A_95 : vector<1x1x300xbf16> to vector<1x1x300xf32>
    %get3A_97 = arith.constant 0 : index
    %get3A_98 = arith.constant 0 : index
    %get3A_99 = vector.load %arg1[%get3A_97, %get3A_98] : memref<1536x64xf32, #tpu.memory_space<vmem>>, vector<384x64xf32>
    %get3A_100 = arith.constant 0 : index
    %get3A_101 = arith.constant 0 : index
    %get3A_102 = vector.load %arg2[%get3A_100, %get3A_101] : memref<1536x24xf32, #tpu.memory_space<vmem>>, vector<384x24xf32>
    %dot_general3A = arith.constant dense<0.000000e+00> : vector<384x300xf32>
    %dot_general3A_103 = tpu.matmul %get3A_99, %get3A_82, %dot_general3A {dimension_numbers = #tpu.dot_dimension_numbers<[1], [0], [0], [1], [0, 0, 1, 1], [], []>, transpose_lhs_hint = false} : vector<384x64xf32>, vector<64x300xf32>, vector<384x300xf32> -> vector<384x300xf32>
    %add3A_104 = vector.broadcast %get3A_85 : vector<1x300xf32> to vector<384x300xf32>
    %add3A_105 = arith.addf %dot_general3A_103, %add3A_104 : vector<384x300xf32>
    %max3A = arith.constant 0.000000e+00 : f32
    %max3A_106 = vector.broadcast %max3A : f32 to vector<384x300xf32>
    %max3A_107 = arith.maximumf %add3A_105, %max3A_106 : vector<384x300xf32>
    %dot_general3A_108 = arith.constant dense<0.000000e+00> : vector<384x384xf32>
    %dot_general3A_109 = tpu.matmul %get3A_102, %convert_element_type3A_16, %dot_general3A_108 {dimension_numbers = #tpu.dot_dimension_numbers<[1], [0], [0], [1], [0, 0, 1, 1], [], []>, transpose_lhs_hint = false} : vector<384x24xf32>, vector<24x384xf32>, vector<384x384xf32> -> vector<384x384xf32>
    %mul3A = arith.mulf %dot_general3A_109, %convert_element_type3A_80 : vector<384x384xf32>
    %convert_element_type3A_110 = arith.truncf %mul3A : vector<384x384xf32> to vector<384x384xbf16>
    %convert_element_type3A_111 = arith.truncf %max3A_107 : vector<384x300xf32> to vector<384x300xbf16>
    %convert_element_type3A_112 = arith.extf %convert_element_type3A_111 : vector<384x300xbf16> to vector<384x300xf32>
    %sub3A_113 = arith.subf %max3A_107, %convert_element_type3A_112 : vector<384x300xf32>
    %convert_element_type3A_114 = arith.truncf %sub3A_113 : vector<384x300xf32> to vector<384x300xbf16>
    %convert_element_type3A_115 = arith.extf %convert_element_type3A_114 : vector<384x300xbf16> to vector<384x300xf32>
    %sub3A_116 = arith.subf %sub3A_113, %convert_element_type3A_115 : vector<384x300xf32>
    %convert_element_type3A_117 = arith.truncf %sub3A_116 : vector<384x300xf32> to vector<384x300xbf16>
    %dot_general3A_118 = arith.constant dense<0.000000e+00> : vector<384x300xf32>
    %dot_general3A_119 = tpu.matmul %convert_element_type3A_110, %convert_element_type3A_111, %dot_general3A_118 {dimension_numbers = #tpu.dot_dimension_numbers<[1], [0], [0], [1], [0, 0, 1, 1], [], []>, transpose_lhs_hint = false} : vector<384x384xbf16>, vector<384x300xbf16>, vector<384x300xf32> -> vector<384x300xf32>
    %dot_general3A_120 = arith.constant dense<0.000000e+00> : vector<384x300xf32>
    %dot_general3A_121 = tpu.matmul %convert_element_type3A_110, %convert_element_type3A_114, %dot_general3A_120 {dimension_numbers = #tpu.dot_dimension_numbers<[1], [0], [0], [1], [0, 0, 1, 1], [], []>, transpose_lhs_hint = false} : vector<384x384xbf16>, vector<384x300xbf16>, vector<384x300xf32> -> vector<384x300xf32>
    %add3A_122 = arith.addf %dot_general3A_119, %dot_general3A_121 : vector<384x300xf32>
    %dot_general3A_123 = arith.constant dense<0.000000e+00> : vector<384x300xf32>
    %dot_general3A_124 = tpu.matmul %convert_element_type3A_110, %convert_element_type3A_117, %dot_general3A_123 {dimension_numbers = #tpu.dot_dimension_numbers<[1], [0], [0], [1], [0, 0, 1, 1], [], []>, transpose_lhs_hint = false} : vector<384x384xbf16>, vector<384x300xbf16>, vector<384x300xf32> -> vector<384x300xf32>
    %add3A_125 = arith.addf %add3A_122, %dot_general3A_124 : vector<384x300xf32>
    %dot_general3A_126 = arith.constant dense<0.000000e+00> : vector<384x300xf32>
    %dot_general3A_127 = tpu.matmul %add3A_125, %get3A_88, %dot_general3A_126 {dimension_numbers = #tpu.dot_dimension_numbers<[1], [0], [0], [1], [0, 0, 1, 1], [], []>, transpose_lhs_hint = false} : vector<384x300xf32>, vector<300x300xf32>, vector<384x300xf32> -> vector<384x300xf32>
    %add3A_128 = arith.addf %max3A_107, %dot_general3A_127 : vector<384x300xf32>
    %add3A_129 = vector.broadcast %get3A_91 : vector<1x300xf32> to vector<384x300xf32>
    %add3A_130 = arith.addf %add3A_128, %add3A_129 : vector<384x300xf32>
    %max3A_131 = arith.constant 0.000000e+00 : f32
    %max3A_132 = vector.broadcast %max3A_131 : f32 to vector<384x300xf32>
    %max3A_133 = arith.maximumf %add3A_130, %max3A_132 : vector<384x300xf32>
    %convert_element_type3A_134 = arith.truncf %max3A_133 : vector<384x300xf32> to vector<384x300xbf16>
    %convert_element_type3A_135 = arith.extf %convert_element_type3A_134 : vector<384x300xbf16> to vector<384x300xf32>
    %sub3A_136 = arith.subf %max3A_133, %convert_element_type3A_135 : vector<384x300xf32>
    %convert_element_type3A_137 = arith.truncf %sub3A_136 : vector<384x300xf32> to vector<384x300xbf16>
    %convert_element_type3A_138 = arith.extf %convert_element_type3A_137 : vector<384x300xbf16> to vector<384x300xf32>
    %sub3A_139 = arith.subf %sub3A_136, %convert_element_type3A_138 : vector<384x300xf32>
    %convert_element_type3A_140 = arith.truncf %sub3A_139 : vector<384x300xf32> to vector<384x300xbf16>
    %dot_general3A_141 = arith.constant dense<0.000000e+00> : vector<384x300xf32>
    %dot_general3A_142 = tpu.matmul %convert_element_type3A_110, %convert_element_type3A_134, %dot_general3A_141 {dimension_numbers = #tpu.dot_dimension_numbers<[1], [0], [0], [1], [0, 0, 1, 1], [], []>, transpose_lhs_hint = false} : vector<384x384xbf16>, vector<384x300xbf16>, vector<384x300xf32> -> vector<384x300xf32>
    %dot_general3A_143 = arith.constant dense<0.000000e+00> : vector<384x300xf32>
    %dot_general3A_144 = tpu.matmul %convert_element_type3A_110, %convert_element_type3A_137, %dot_general3A_143 {dimension_numbers = #tpu.dot_dimension_numbers<[1], [0], [0], [1], [0, 0, 1, 1], [], []>, transpose_lhs_hint = false} : vector<384x384xbf16>, vector<384x300xbf16>, vector<384x300xf32> -> vector<384x300xf32>
    %add3A_145 = arith.addf %dot_general3A_142, %dot_general3A_144 : vector<384x300xf32>
    %dot_general3A_146 = arith.constant dense<0.000000e+00> : vector<384x300xf32>
    %dot_general3A_147 = tpu.matmul %convert_element_type3A_110, %convert_element_type3A_140, %dot_general3A_146 {dimension_numbers = #tpu.dot_dimension_numbers<[1], [0], [0], [1], [0, 0, 1, 1], [], []>, transpose_lhs_hint = false} : vector<384x384xbf16>, vector<384x300xbf16>, vector<384x300xf32> -> vector<384x300xf32>
    %add3A_148 = arith.addf %add3A_145, %dot_general3A_147 : vector<384x300xf32>
    %dot_general3A_149 = arith.constant dense<0.000000e+00> : vector<384x300xf32>
    %dot_general3A_150 = tpu.matmul %add3A_148, %get3A_88, %dot_general3A_149 {dimension_numbers = #tpu.dot_dimension_numbers<[1], [0], [0], [1], [0, 0, 1, 1], [], []>, transpose_lhs_hint = false} : vector<384x300xf32>, vector<300x300xf32>, vector<384x300xf32> -> vector<384x300xf32>
    %add3A_151 = arith.addf %max3A_107, %dot_general3A_150 : vector<384x300xf32>
    %add3A_152 = vector.broadcast %get3A_91 : vector<1x300xf32> to vector<384x300xf32>
    %add3A_153 = arith.addf %add3A_151, %add3A_152 : vector<384x300xf32>
    %max3A_154 = arith.constant 0.000000e+00 : f32
    %max3A_155 = vector.broadcast %max3A_154 : f32 to vector<384x300xf32>
    %max3A_156 = arith.maximumf %add3A_153, %max3A_155 : vector<384x300xf32>
    %convert_element_type3A_157 = arith.truncf %max3A_156 : vector<384x300xf32> to vector<384x300xbf16>
    %convert_element_type3A_158 = arith.extf %convert_element_type3A_157 : vector<384x300xbf16> to vector<384x300xf32>
    %sub3A_159 = arith.subf %max3A_156, %convert_element_type3A_158 : vector<384x300xf32>
    %convert_element_type3A_160 = arith.truncf %sub3A_159 : vector<384x300xf32> to vector<384x300xbf16>
    %convert_element_type3A_161 = arith.extf %convert_element_type3A_160 : vector<384x300xbf16> to vector<384x300xf32>
    %sub3A_162 = arith.subf %sub3A_159, %convert_element_type3A_161 : vector<384x300xf32>
    %convert_element_type3A_163 = arith.truncf %sub3A_162 : vector<384x300xf32> to vector<384x300xbf16>
    %dot_general3A_164 = arith.constant dense<0.000000e+00> : vector<384x300xf32>
    %dot_general3A_165 = tpu.matmul %convert_element_type3A_110, %convert_element_type3A_157, %dot_general3A_164 {dimension_numbers = #tpu.dot_dimension_numbers<[1], [0], [0], [1], [0, 0, 1, 1], [], []>, transpose_lhs_hint = false} : vector<384x384xbf16>, vector<384x300xbf16>, vector<384x300xf32> -> vector<384x300xf32>
    %dot_general3A_166 = arith.constant dense<0.000000e+00> : vector<384x300xf32>
    %dot_general3A_167 = tpu.matmul %convert_element_type3A_110, %convert_element_type3A_160, %dot_general3A_166 {dimension_numbers = #tpu.dot_dimension_numbers<[1], [0], [0], [1], [0, 0, 1, 1], [], []>, transpose_lhs_hint = false} : vector<384x384xbf16>, vector<384x300xbf16>, vector<384x300xf32> -> vector<384x300xf32>
    %add3A_168 = arith.addf %dot_general3A_165, %dot_general3A_167 : vector<384x300xf32>
    %dot_general3A_169 = arith.constant dense<0.000000e+00> : vector<384x300xf32>
    %dot_general3A_170 = tpu.matmul %convert_element_type3A_110, %convert_element_type3A_163, %dot_general3A_169 {dimension_numbers = #tpu.dot_dimension_numbers<[1], [0], [0], [1], [0, 0, 1, 1], [], []>, transpose_lhs_hint = false} : vector<384x384xbf16>, vector<384x300xbf16>, vector<384x300xf32> -> vector<384x300xf32>
    %add3A_171 = arith.addf %add3A_168, %dot_general3A_170 : vector<384x300xf32>
    %dot_general3A_172 = arith.constant dense<0.000000e+00> : vector<384x300xf32>
    %dot_general3A_173 = tpu.matmul %add3A_171, %get3A_88, %dot_general3A_172 {dimension_numbers = #tpu.dot_dimension_numbers<[1], [0], [0], [1], [0, 0, 1, 1], [], []>, transpose_lhs_hint = false} : vector<384x300xf32>, vector<300x300xf32>, vector<384x300xf32> -> vector<384x300xf32>
    %add3A_174 = arith.addf %max3A_107, %dot_general3A_173 : vector<384x300xf32>
    %add3A_175 = vector.broadcast %get3A_91 : vector<1x300xf32> to vector<384x300xf32>
    %add3A_176 = arith.addf %add3A_174, %add3A_175 : vector<384x300xf32>
    %max3A_177 = arith.constant 0.000000e+00 : f32
    %max3A_178 = vector.broadcast %max3A_177 : f32 to vector<384x300xf32>
    %max3A_179 = arith.maximumf %add3A_176, %max3A_178 : vector<384x300xf32>
    %reshape3A_180 = vector.shape_cast %max3A_179 : vector<384x300xf32> to vector<16x24x300xf32>
    %convert_element_type3A_181 = arith.truncf %reshape3A_180 : vector<16x24x300xf32> to vector<16x24x300xbf16>
    %convert_element_type3A_182 = arith.extf %convert_element_type3A_181 : vector<16x24x300xbf16> to vector<16x24x300xf32>
    %mul3A_183 = vector.broadcast %convert_element_type3A_96 : vector<1x1x300xf32> to vector<16x24x300xf32>
    %mul3A_184 = arith.mulf %convert_element_type3A_182, %mul3A_183 : vector<16x24x300xf32>
    %reduce_sum3A = arith.constant dense<0.000000e+00> : vector<16x24xf32>
    %reduce_sum3A_185 = vector.multi_reduction <add>, %mul3A_184, %reduce_sum3A [2] : vector<16x24x300xf32> to vector<16x24xf32>
    %reduce_max3A = arith.constant dense<0xFF800000> : vector<16xf32>
    %reduce_max3A_186 = vector.multi_reduction <maximumf>, %reduce_sum3A_185, %reduce_max3A [1] : vector<16x24xf32> to vector<16xf32>
    %broadcast_in_dim3A = vector.shape_cast %reduce_max3A_186 : vector<16xf32> to vector<16x1xf32>
    %sub3A_187 = vector.broadcast %broadcast_in_dim3A : vector<16x1xf32> to vector<16x24xf32>
    %sub3A_188 = arith.subf %reduce_sum3A_185, %sub3A_187 : vector<16x24xf32>
    %exp3A = math.exp %sub3A_188 : vector<16x24xf32>
    %reduce_sum3A_189 = arith.constant dense<0.000000e+00> : vector<16xf32>
    %reduce_sum3A_190 = vector.multi_reduction <add>, %exp3A, %reduce_sum3A_189 [1] : vector<16x24xf32> to vector<16xf32>
    %broadcast_in_dim3A_191 = vector.shape_cast %reduce_sum3A_190 : vector<16xf32> to vector<16x1xf32>
    %div3A_192 = vector.broadcast %broadcast_in_dim3A_191 : vector<16x1xf32> to vector<16x24xf32>
    %div3A_193 = arith.divf %exp3A, %div3A_192 : vector<16x24xf32>
    %broadcast_in_dim3A_194 = vector.shape_cast %div3A_193 : vector<16x24xf32> to vector<16x24x1xf32>
    %mul3A_195 = vector.broadcast %broadcast_in_dim3A_194 : vector<16x24x1xf32> to vector<16x24x300xf32>
    %mul3A_196 = arith.mulf %mul3A_195, %reshape3A_180 : vector<16x24x300xf32>
    %reduce_sum3A_197 = arith.constant dense<0.000000e+00> : vector<16x300xf32>
    %reduce_sum3A_198 = vector.multi_reduction <add>, %mul3A_196, %reduce_sum3A_197 [1] : vector<16x24x300xf32> to vector<16x300xf32>
    %swap3A = arith.constant 0 : index
    %swap3A_199 = arith.constant 0 : index
    %swap3A_200 = vector.load %arg8[%swap3A, %swap3A_199] : memref<64x300xf32, #tpu.memory_space<vmem>>, vector<16x300xf32>
    tpu.vector_store %arg8[%swap3A, %swap3A_199], %reduce_sum3A_198 {strides = array<i32>} : memref<64x300xf32, #tpu.memory_space<vmem>>, vector<16x300xf32>,
    %get3A_201 = arith.constant 384 : index
    %get3A_202 = arith.constant 0 : index
    %get3A_203 = vector.load %arg1[%get3A_201, %get3A_202] : memref<1536x64xf32, #tpu.memory_space<vmem>>, vector<384x64xf32>
    %get3A_204 = arith.constant 384 : index
    %get3A_205 = arith.constant 0 : index
    %get3A_206 = vector.load %arg2[%get3A_204, %get3A_205] : memref<1536x24xf32, #tpu.memory_space<vmem>>, vector<384x24xf32>
    %dot_general3A_207 = arith.constant dense<0.000000e+00> : vector<384x300xf32>
    %dot_general3A_208 = tpu.matmul %get3A_203, %get3A_82, %dot_general3A_207 {dimension_numbers = #tpu.dot_dimension_numbers<[1], [0], [0], [1], [0, 0, 1, 1], [], []>, transpose_lhs_hint = false} : vector<384x64xf32>, vector<64x300xf32>, vector<384x300xf32> -> vector<384x300xf32>
    %add3A_209 = vector.broadcast %get3A_85 : vector<1x300xf32> to vector<384x300xf32>
    %add3A_210 = arith.addf %dot_general3A_208, %add3A_209 : vector<384x300xf32>
    %max3A_211 = arith.constant 0.000000e+00 : f32
    %max3A_212 = vector.broadcast %max3A_211 : f32 to vector<384x300xf32>
    %max3A_213 = arith.maximumf %add3A_210, %max3A_212 : vector<384x300xf32>
    %dot_general3A_214 = arith.constant dense<0.000000e+00> : vector<384x384xf32>
    %dot_general3A_215 = tpu.matmul %get3A_206, %convert_element_type3A_16, %dot_general3A_214 {dimension_numbers = #tpu.dot_dimension_numbers<[1], [0], [0], [1], [0, 0, 1, 1], [], []>, transpose_lhs_hint = false} : vector<384x24xf32>, vector<24x384xf32>, vector<384x384xf32> -> vector<384x384xf32>
    %mul3A_216 = arith.mulf %dot_general3A_215, %convert_element_type3A_80 : vector<384x384xf32>
    %convert_element_type3A_217 = arith.truncf %mul3A_216 : vector<384x384xf32> to vector<384x384xbf16>
    %convert_element_type3A_218 = arith.truncf %max3A_213 : vector<384x300xf32> to vector<384x300xbf16>
    %convert_element_type3A_219 = arith.extf %convert_element_type3A_218 : vector<384x300xbf16> to vector<384x300xf32>
    %sub3A_220 = arith.subf %max3A_213, %convert_element_type3A_219 : vector<384x300xf32>
    %convert_element_type3A_221 = arith.truncf %sub3A_220 : vector<384x300xf32> to vector<384x300xbf16>
    %convert_element_type3A_222 = arith.extf %convert_element_type3A_221 : vector<384x300xbf16> to vector<384x300xf32>
    %sub3A_223 = arith.subf %sub3A_220, %convert_element_type3A_222 : vector<384x300xf32>
    %convert_element_type3A_224 = arith.truncf %sub3A_223 : vector<384x300xf32> to vector<384x300xbf16>
    %dot_general3A_225 = arith.constant dense<0.000000e+00> : vector<384x300xf32>
    %dot_general3A_226 = tpu.matmul %convert_element_type3A_217, %convert_element_type3A_218, %dot_general3A_225 {dimension_numbers = #tpu.dot_dimension_numbers<[1], [0], [0], [1], [0, 0, 1, 1], [], []>, transpose_lhs_hint = false} : vector<384x384xbf16>, vector<384x300xbf16>, vector<384x300xf32> -> vector<384x300xf32>
    %dot_general3A_227 = arith.constant dense<0.000000e+00> : vector<384x300xf32>
    %dot_general3A_228 = tpu.matmul %convert_element_type3A_217, %convert_element_type3A_221, %dot_general3A_227 {dimension_numbers = #tpu.dot_dimension_numbers<[1], [0], [0], [1], [0, 0, 1, 1], [], []>, transpose_lhs_hint = false} : vector<384x384xbf16>, vector<384x300xbf16>, vector<384x300xf32> -> vector<384x300xf32>
    %add3A_229 = arith.addf %dot_general3A_226, %dot_general3A_228 : vector<384x300xf32>
    %dot_general3A_230 = arith.constant dense<0.000000e+00> : vector<384x300xf32>
    %dot_general3A_231 = tpu.matmul %convert_element_type3A_217, %convert_element_type3A_224, %dot_general3A_230 {dimension_numbers = #tpu.dot_dimension_numbers<[1], [0], [0], [1], [0, 0, 1, 1], [], []>, transpose_lhs_hint = false} : vector<384x384xbf16>, vector<384x300xbf16>, vector<384x300xf32> -> vector<384x300xf32>
    %add3A_232 = arith.addf %add3A_229, %dot_general3A_231 : vector<384x300xf32>
    %dot_general3A_233 = arith.constant dense<0.000000e+00> : vector<384x300xf32>
    %dot_general3A_234 = tpu.matmul %add3A_232, %get3A_88, %dot_general3A_233 {dimension_numbers = #tpu.dot_dimension_numbers<[1], [0], [0], [1], [0, 0, 1, 1], [], []>, transpose_lhs_hint = false} : vector<384x300xf32>, vector<300x300xf32>, vector<384x300xf32> -> vector<384x300xf32>
    %add3A_235 = arith.addf %max3A_213, %dot_general3A_234 : vector<384x300xf32>
    %add3A_236 = vector.broadcast %get3A_91 : vector<1x300xf32> to vector<384x300xf32>
    %add3A_237 = arith.addf %add3A_235, %add3A_236 : vector<384x300xf32>
    %max3A_238 = arith.constant 0.000000e+00 : f32
    %max3A_239 = vector.broadcast %max3A_238 : f32 to vector<384x300xf32>
    %max3A_240 = arith.maximumf %add3A_237, %max3A_239 : vector<384x300xf32>
    %convert_element_type3A_241 = arith.truncf %max3A_240 : vector<384x300xf32> to vector<384x300xbf16>
    %convert_element_type3A_242 = arith.extf %convert_element_type3A_241 : vector<384x300xbf16> to vector<384x300xf32>
    %sub3A_243 = arith.subf %max3A_240, %convert_element_type3A_242 : vector<384x300xf32>
    %convert_element_type3A_244 = arith.truncf %sub3A_243 : vector<384x300xf32> to vector<384x300xbf16>
    %convert_element_type3A_245 = arith.extf %convert_element_type3A_244 : vector<384x300xbf16> to vector<384x300xf32>
    %sub3A_246 = arith.subf %sub3A_243, %convert_element_type3A_245 : vector<384x300xf32>
    %convert_element_type3A_247 = arith.truncf %sub3A_246 : vector<384x300xf32> to vector<384x300xbf16>
    %dot_general3A_248 = arith.constant dense<0.000000e+00> : vector<384x300xf32>
    %dot_general3A_249 = tpu.matmul %convert_element_type3A_217, %convert_element_type3A_241, %dot_general3A_248 {dimension_numbers = #tpu.dot_dimension_numbers<[1], [0], [0], [1], [0, 0, 1, 1], [], []>, transpose_lhs_hint = false} : vector<384x384xbf16>, vector<384x300xbf16>, vector<384x300xf32> -> vector<384x300xf32>
    %dot_general3A_250 = arith.constant dense<0.000000e+00> : vector<384x300xf32>
    %dot_general3A_251 = tpu.matmul %convert_element_type3A_217, %convert_element_type3A_244, %dot_general3A_250 {dimension_numbers = #tpu.dot_dimension_numbers<[1], [0], [0], [1], [0, 0, 1, 1], [], []>, transpose_lhs_hint = false} : vector<384x384xbf16>, vector<384x300xbf16>, vector<384x300xf32> -> vector<384x300xf32>
    %add3A_252 = arith.addf %dot_general3A_249, %dot_general3A_251 : vector<384x300xf32>
    %dot_general3A_253 = arith.constant dense<0.000000e+00> : vector<384x300xf32>
    %dot_general3A_254 = tpu.matmul %convert_element_type3A_217, %convert_element_type3A_247, %dot_general3A_253 {dimension_numbers = #tpu.dot_dimension_numbers<[1], [0], [0], [1], [0, 0, 1, 1], [], []>, transpose_lhs_hint = false} : vector<384x384xbf16>, vector<384x300xbf16>, vector<384x300xf32> -> vector<384x300xf32>
    %add3A_255 = arith.addf %add3A_252, %dot_general3A_254 : vector<384x300xf32>
    %dot_general3A_256 = arith.constant dense<0.000000e+00> : vector<384x300xf32>
    %dot_general3A_257 = tpu.matmul %add3A_255, %get3A_88, %dot_general3A_256 {dimension_numbers = #tpu.dot_dimension_numbers<[1], [0], [0], [1], [0, 0, 1, 1], [], []>, transpose_lhs_hint = false} : vector<384x300xf32>, vector<300x300xf32>, vector<384x300xf32> -> vector<384x300xf32>
    %add3A_258 = arith.addf %max3A_213, %dot_general3A_257 : vector<384x300xf32>
    %add3A_259 = vector.broadcast %get3A_91 : vector<1x300xf32> to vector<384x300xf32>
    %add3A_260 = arith.addf %add3A_258, %add3A_259 : vector<384x300xf32>
    %max3A_261 = arith.constant 0.000000e+00 : f32
    %max3A_262 = vector.broadcast %max3A_261 : f32 to vector<384x300xf32>
    %max3A_263 = arith.maximumf %add3A_260, %max3A_262 : vector<384x300xf32>
    %convert_element_type3A_264 = arith.truncf %max3A_263 : vector<384x300xf32> to vector<384x300xbf16>
    %convert_element_type3A_265 = arith.extf %convert_element_type3A_264 : vector<384x300xbf16> to vector<384x300xf32>
    %sub3A_266 = arith.subf %max3A_263, %convert_element_type3A_265 : vector<384x300xf32>
    %convert_element_type3A_267 = arith.truncf %sub3A_266 : vector<384x300xf32> to vector<384x300xbf16>
    %convert_element_type3A_268 = arith.extf %convert_element_type3A_267 : vector<384x300xbf16> to vector<384x300xf32>
    %sub3A_269 = arith.subf %sub3A_266, %convert_element_type3A_268 : vector<384x300xf32>
    %convert_element_type3A_270 = arith.truncf %sub3A_269 : vector<384x300xf32> to vector<384x300xbf16>
    %dot_general3A_271 = arith.constant dense<0.000000e+00> : vector<384x300xf32>
    %dot_general3A_272 = tpu.matmul %convert_element_type3A_217, %convert_element_type3A_264, %dot_general3A_271 {dimension_numbers = #tpu.dot_dimension_numbers<[1], [0], [0], [1], [0, 0, 1, 1], [], []>, transpose_lhs_hint = false} : vector<384x384xbf16>, vector<384x300xbf16>, vector<384x300xf32> -> vector<384x300xf32>
    %dot_general3A_273 = arith.constant dense<0.000000e+00> : vector<384x300xf32>
    %dot_general3A_274 = tpu.matmul %convert_element_type3A_217, %convert_element_type3A_267, %dot_general3A_273 {dimension_numbers = #tpu.dot_dimension_numbers<[1], [0], [0], [1], [0, 0, 1, 1], [], []>, transpose_lhs_hint = false} : vector<384x384xbf16>, vector<384x300xbf16>, vector<384x300xf32> -> vector<384x300xf32>
    %add3A_275 = arith.addf %dot_general3A_272, %dot_general3A_274 : vector<384x300xf32>
    %dot_general3A_276 = arith.constant dense<0.000000e+00> : vector<384x300xf32>
    %dot_general3A_277 = tpu.matmul %convert_element_type3A_217, %convert_element_type3A_270, %dot_general3A_276 {dimension_numbers = #tpu.dot_dimension_numbers<[1], [0], [0], [1], [0, 0, 1, 1], [], []>, transpose_lhs_hint = false} : vector<384x384xbf16>, vector<384x300xbf16>, vector<384x300xf32> -> vector<384x300xf32>
    %add3A_278 = arith.addf %add3A_275, %dot_general3A_277 : vector<384x300xf32>
    %dot_general3A_279 = arith.constant dense<0.000000e+00> : vector<384x300xf32>
    %dot_general3A_280 = tpu.matmul %add3A_278, %get3A_88, %dot_general3A_279 {dimension_numbers = #tpu.dot_dimension_numbers<[1], [0], [0], [1], [0, 0, 1, 1], [], []>, transpose_lhs_hint = false} : vector<384x300xf32>, vector<300x300xf32>, vector<384x300xf32> -> vector<384x300xf32>
    %add3A_281 = arith.addf %max3A_213, %dot_general3A_280 : vector<384x300xf32>
    %add3A_282 = vector.broadcast %get3A_91 : vector<1x300xf32> to vector<384x300xf32>
    %add3A_283 = arith.addf %add3A_281, %add3A_282 : vector<384x300xf32>
    %max3A_284 = arith.constant 0.000000e+00 : f32
    %max3A_285 = vector.broadcast %max3A_284 : f32 to vector<384x300xf32>
    %max3A_286 = arith.maximumf %add3A_283, %max3A_285 : vector<384x300xf32>
    %reshape3A_287 = vector.shape_cast %max3A_286 : vector<384x300xf32> to vector<16x24x300xf32>
    %convert_element_type3A_288 = arith.truncf %reshape3A_287 : vector<16x24x300xf32> to vector<16x24x300xbf16>
    %convert_element_type3A_289 = arith.extf %convert_element_type3A_288 : vector<16x24x300xbf16> to vector<16x24x300xf32>
    %mul3A_290 = vector.broadcast %convert_element_type3A_96 : vector<1x1x300xf32> to vector<16x24x300xf32>
    %mul3A_291 = arith.mulf %convert_element_type3A_289, %mul3A_290 : vector<16x24x300xf32>
    %reduce_sum3A_292 = arith.constant dense<0.000000e+00> : vector<16x24xf32>
    %reduce_sum3A_293 = vector.multi_reduction <add>, %mul3A_291, %reduce_sum3A_292 [2] : vector<16x24x300xf32> to vector<16x24xf32>
    %reduce_max3A_294 = arith.constant dense<0xFF800000> : vector<16xf32>
    %reduce_max3A_295 = vector.multi_reduction <maximumf>, %reduce_sum3A_293, %reduce_max3A_294 [1] : vector<16x24xf32> to vector<16xf32>
    %broadcast_in_dim3A_296 = vector.shape_cast %reduce_max3A_295 : vector<16xf32> to vector<16x1xf32>
    %sub3A_297 = vector.broadcast %broadcast_in_dim3A_296 : vector<16x1xf32> to vector<16x24xf32>
    %sub3A_298 = arith.subf %reduce_sum3A_293, %sub3A_297 : vector<16x24xf32>
    %exp3A_299 = math.exp %sub3A_298 : vector<16x24xf32>
    %reduce_sum3A_300 = arith.constant dense<0.000000e+00> : vector<16xf32>
    %reduce_sum3A_301 = vector.multi_reduction <add>, %exp3A_299, %reduce_sum3A_300 [1] : vector<16x24xf32> to vector<16xf32>
    %broadcast_in_dim3A_302 = vector.shape_cast %reduce_sum3A_301 : vector<16xf32> to vector<16x1xf32>
    %div3A_303 = vector.broadcast %broadcast_in_dim3A_302 : vector<16x1xf32> to vector<16x24xf32>
    %div3A_304 = arith.divf %exp3A_299, %div3A_303 : vector<16x24xf32>
    %broadcast_in_dim3A_305 = vector.shape_cast %div3A_304 : vector<16x24xf32> to vector<16x24x1xf32>
    %mul3A_306 = vector.broadcast %broadcast_in_dim3A_305 : vector<16x24x1xf32> to vector<16x24x300xf32>
    %mul3A_307 = arith.mulf %mul3A_306, %reshape3A_287 : vector<16x24x300xf32>
    %reduce_sum3A_308 = arith.constant dense<0.000000e+00> : vector<16x300xf32>
    %reduce_sum3A_309 = vector.multi_reduction <add>, %mul3A_307, %reduce_sum3A_308 [1] : vector<16x24x300xf32> to vector<16x300xf32>
    %swap3A_310 = arith.constant 16 : index
    %swap3A_311 = arith.constant 0 : index
    %swap3A_312 = vector.load %arg8[%swap3A_310, %swap3A_311] : memref<64x300xf32, #tpu.memory_space<vmem>>, vector<16x300xf32>
    tpu.vector_store %arg8[%swap3A_310, %swap3A_311], %reduce_sum3A_309 {strides = array<i32>} : memref<64x300xf32, #tpu.memory_space<vmem>>, vector<16x300xf32>,
    %get3A_313 = arith.constant 768 : index
    %get3A_314 = arith.constant 0 : index
    %get3A_315 = vector.load %arg1[%get3A_313, %get3A_314] : memref<1536x64xf32, #tpu.memory_space<vmem>>, vector<384x64xf32>
    %get3A_316 = arith.constant 768 : index
    %get3A_317 = arith.constant 0 : index
    %get3A_318 = vector.load %arg2[%get3A_316, %get3A_317] : memref<1536x24xf32, #tpu.memory_space<vmem>>, vector<384x24xf32>
    %dot_general3A_319 = arith.constant dense<0.000000e+00> : vector<384x300xf32>
    %dot_general3A_320 = tpu.matmul %get3A_315, %get3A_82, %dot_general3A_319 {dimension_numbers = #tpu.dot_dimension_numbers<[1], [0], [0], [1], [0, 0, 1, 1], [], []>, transpose_lhs_hint = false} : vector<384x64xf32>, vector<64x300xf32>, vector<384x300xf32> -> vector<384x300xf32>
    %add3A_321 = vector.broadcast %get3A_85 : vector<1x300xf32> to vector<384x300xf32>
    %add3A_322 = arith.addf %dot_general3A_320, %add3A_321 : vector<384x300xf32>
    %max3A_323 = arith.constant 0.000000e+00 : f32
    %max3A_324 = vector.broadcast %max3A_323 : f32 to vector<384x300xf32>
    %max3A_325 = arith.maximumf %add3A_322, %max3A_324 : vector<384x300xf32>
    %dot_general3A_326 = arith.constant dense<0.000000e+00> : vector<384x384xf32>
    %dot_general3A_327 = tpu.matmul %get3A_318, %convert_element_type3A_16, %dot_general3A_326 {dimension_numbers = #tpu.dot_dimension_numbers<[1], [0], [0], [1], [0, 0, 1, 1], [], []>, transpose_lhs_hint = false} : vector<384x24xf32>, vector<24x384xf32>, vector<384x384xf32> -> vector<384x384xf32>
    %mul3A_328 = arith.mulf %dot_general3A_327, %convert_element_type3A_80 : vector<384x384xf32>
    %convert_element_type3A_329 = arith.truncf %mul3A_328 : vector<384x384xf32> to vector<384x384xbf16>
    %convert_element_type3A_330 = arith.truncf %max3A_325 : vector<384x300xf32> to vector<384x300xbf16>
    %convert_element_type3A_331 = arith.extf %convert_element_type3A_330 : vector<384x300xbf16> to vector<384x300xf32>
    %sub3A_332 = arith.subf %max3A_325, %convert_element_type3A_331 : vector<384x300xf32>
    %convert_element_type3A_333 = arith.truncf %sub3A_332 : vector<384x300xf32> to vector<384x300xbf16>
    %convert_element_type3A_334 = arith.extf %convert_element_type3A_333 : vector<384x300xbf16> to vector<384x300xf32>
    %sub3A_335 = arith.subf %sub3A_332, %convert_element_type3A_334 : vector<384x300xf32>
    %convert_element_type3A_336 = arith.truncf %sub3A_335 : vector<384x300xf32> to vector<384x300xbf16>
    %dot_general3A_337 = arith.constant dense<0.000000e+00> : vector<384x300xf32>
    %dot_general3A_338 = tpu.matmul %convert_element_type3A_329, %convert_element_type3A_330, %dot_general3A_337 {dimension_numbers = #tpu.dot_dimension_numbers<[1], [0], [0], [1], [0, 0, 1, 1], [], []>, transpose_lhs_hint = false} : vector<384x384xbf16>, vector<384x300xbf16>, vector<384x300xf32> -> vector<384x300xf32>
    %dot_general3A_339 = arith.constant dense<0.000000e+00> : vector<384x300xf32>
    %dot_general3A_340 = tpu.matmul %convert_element_type3A_329, %convert_element_type3A_333, %dot_general3A_339 {dimension_numbers = #tpu.dot_dimension_numbers<[1], [0], [0], [1], [0, 0, 1, 1], [], []>, transpose_lhs_hint = false} : vector<384x384xbf16>, vector<384x300xbf16>, vector<384x300xf32> -> vector<384x300xf32>
    %add3A_341 = arith.addf %dot_general3A_338, %dot_general3A_340 : vector<384x300xf32>
    %dot_general3A_342 = arith.constant dense<0.000000e+00> : vector<384x300xf32>
    %dot_general3A_343 = tpu.matmul %convert_element_type3A_329, %convert_element_type3A_336, %dot_general3A_342 {dimension_numbers = #tpu.dot_dimension_numbers<[1], [0], [0], [1], [0, 0, 1, 1], [], []>, transpose_lhs_hint = false} : vector<384x384xbf16>, vector<384x300xbf16>, vector<384x300xf32> -> vector<384x300xf32>
    %add3A_344 = arith.addf %add3A_341, %dot_general3A_343 : vector<384x300xf32>
    %dot_general3A_345 = arith.constant dense<0.000000e+00> : vector<384x300xf32>
    %dot_general3A_346 = tpu.matmul %add3A_344, %get3A_88, %dot_general3A_345 {dimension_numbers = #tpu.dot_dimension_numbers<[1], [0], [0], [1], [0, 0, 1, 1], [], []>, transpose_lhs_hint = false} : vector<384x300xf32>, vector<300x300xf32>, vector<384x300xf32> -> vector<384x300xf32>
    %add3A_347 = arith.addf %max3A_325, %dot_general3A_346 : vector<384x300xf32>
    %add3A_348 = vector.broadcast %get3A_91 : vector<1x300xf32> to vector<384x300xf32>
    %add3A_349 = arith.addf %add3A_347, %add3A_348 : vector<384x300xf32>
    %max3A_350 = arith.constant 0.000000e+00 : f32
    %max3A_351 = vector.broadcast %max3A_350 : f32 to vector<384x300xf32>
    %max3A_352 = arith.maximumf %add3A_349, %max3A_351 : vector<384x300xf32>
    %convert_element_type3A_353 = arith.truncf %max3A_352 : vector<384x300xf32> to vector<384x300xbf16>
    %convert_element_type3A_354 = arith.extf %convert_element_type3A_353 : vector<384x300xbf16> to vector<384x300xf32>
    %sub3A_355 = arith.subf %max3A_352, %convert_element_type3A_354 : vector<384x300xf32>
    %convert_element_type3A_356 = arith.truncf %sub3A_355 : vector<384x300xf32> to vector<384x300xbf16>
    %convert_element_type3A_357 = arith.extf %convert_element_type3A_356 : vector<384x300xbf16> to vector<384x300xf32>
    %sub3A_358 = arith.subf %sub3A_355, %convert_element_type3A_357 : vector<384x300xf32>
    %convert_element_type3A_359 = arith.truncf %sub3A_358 : vector<384x300xf32> to vector<384x300xbf16>
    %dot_general3A_360 = arith.constant dense<0.000000e+00> : vector<384x300xf32>
    %dot_general3A_361 = tpu.matmul %convert_element_type3A_329, %convert_element_type3A_353, %dot_general3A_360 {dimension_numbers = #tpu.dot_dimension_numbers<[1], [0], [0], [1], [0, 0, 1, 1], [], []>, transpose_lhs_hint = false} : vector<384x384xbf16>, vector<384x300xbf16>, vector<384x300xf32> -> vector<384x300xf32>
    %dot_general3A_362 = arith.constant dense<0.000000e+00> : vector<384x300xf32>
    %dot_general3A_363 = tpu.matmul %convert_element_type3A_329, %convert_element_type3A_356, %dot_general3A_362 {dimension_numbers = #tpu.dot_dimension_numbers<[1], [0], [0], [1], [0, 0, 1, 1], [], []>, transpose_lhs_hint = false} : vector<384x384xbf16>, vector<384x300xbf16>, vector<384x300xf32> -> vector<384x300xf32>
    %add3A_364 = arith.addf %dot_general3A_361, %dot_general3A_363 : vector<384x300xf32>
    %dot_general3A_365 = arith.constant dense<0.000000e+00> : vector<384x300xf32>
    %dot_general3A_366 = tpu.matmul %convert_element_type3A_329, %convert_element_type3A_359, %dot_general3A_365 {dimension_numbers = #tpu.dot_dimension_numbers<[1], [0], [0], [1], [0, 0, 1, 1], [], []>, transpose_lhs_hint = false} : vector<384x384xbf16>, vector<384x300xbf16>, vector<384x300xf32> -> vector<384x300xf32>
    %add3A_367 = arith.addf %add3A_364, %dot_general3A_366 : vector<384x300xf32>
    %dot_general3A_368 = arith.constant dense<0.000000e+00> : vector<384x300xf32>
    %dot_general3A_369 = tpu.matmul %add3A_367, %get3A_88, %dot_general3A_368 {dimension_numbers = #tpu.dot_dimension_numbers<[1], [0], [0], [1], [0, 0, 1, 1], [], []>, transpose_lhs_hint = false} : vector<384x300xf32>, vector<300x300xf32>, vector<384x300xf32> -> vector<384x300xf32>
    %add3A_370 = arith.addf %max3A_325, %dot_general3A_369 : vector<384x300xf32>
    %add3A_371 = vector.broadcast %get3A_91 : vector<1x300xf32> to vector<384x300xf32>
    %add3A_372 = arith.addf %add3A_370, %add3A_371 : vector<384x300xf32>
    %max3A_373 = arith.constant 0.000000e+00 : f32
    %max3A_374 = vector.broadcast %max3A_373 : f32 to vector<384x300xf32>
    %max3A_375 = arith.maximumf %add3A_372, %max3A_374 : vector<384x300xf32>
    %convert_element_type3A_376 = arith.truncf %max3A_375 : vector<384x300xf32> to vector<384x300xbf16>
    %convert_element_type3A_377 = arith.extf %convert_element_type3A_376 : vector<384x300xbf16> to vector<384x300xf32>
    %sub3A_378 = arith.subf %max3A_375, %convert_element_type3A_377 : vector<384x300xf32>
    %convert_element_type3A_379 = arith.truncf %sub3A_378 : vector<384x300xf32> to vector<384x300xbf16>
    %convert_element_type3A_380 = arith.extf %convert_element_type3A_379 : vector<384x300xbf16> to vector<384x300xf32>
    %sub3A_381 = arith.subf %sub3A_378, %convert_element_type3A_380 : vector<384x300xf32>
    %convert_element_type3A_382 = arith.truncf %sub3A_381 : vector<384x300xf32> to vector<384x300xbf16>
    %dot_general3A_383 = arith.constant dense<0.000000e+00> : vector<384x300xf32>
    %dot_general3A_384 = tpu.matmul %convert_element_type3A_329, %convert_element_type3A_376, %dot_general3A_383 {dimension_numbers = #tpu.dot_dimension_numbers<[1], [0], [0], [1], [0, 0, 1, 1], [], []>, transpose_lhs_hint = false} : vector<384x384xbf16>, vector<384x300xbf16>, vector<384x300xf32> -> vector<384x300xf32>
    %dot_general3A_385 = arith.constant dense<0.000000e+00> : vector<384x300xf32>
    %dot_general3A_386 = tpu.matmul %convert_element_type3A_329, %convert_element_type3A_379, %dot_general3A_385 {dimension_numbers = #tpu.dot_dimension_numbers<[1], [0], [0], [1], [0, 0, 1, 1], [], []>, transpose_lhs_hint = false} : vector<384x384xbf16>, vector<384x300xbf16>, vector<384x300xf32> -> vector<384x300xf32>
    %add3A_387 = arith.addf %dot_general3A_384, %dot_general3A_386 : vector<384x300xf32>
    %dot_general3A_388 = arith.constant dense<0.000000e+00> : vector<384x300xf32>
    %dot_general3A_389 = tpu.matmul %convert_element_type3A_329, %convert_element_type3A_382, %dot_general3A_388 {dimension_numbers = #tpu.dot_dimension_numbers<[1], [0], [0], [1], [0, 0, 1, 1], [], []>, transpose_lhs_hint = false} : vector<384x384xbf16>, vector<384x300xbf16>, vector<384x300xf32> -> vector<384x300xf32>
    %add3A_390 = arith.addf %add3A_387, %dot_general3A_389 : vector<384x300xf32>
    %dot_general3A_391 = arith.constant dense<0.000000e+00> : vector<384x300xf32>
    %dot_general3A_392 = tpu.matmul %add3A_390, %get3A_88, %dot_general3A_391 {dimension_numbers = #tpu.dot_dimension_numbers<[1], [0], [0], [1], [0, 0, 1, 1], [], []>, transpose_lhs_hint = false} : vector<384x300xf32>, vector<300x300xf32>, vector<384x300xf32> -> vector<384x300xf32>
    %add3A_393 = arith.addf %max3A_325, %dot_general3A_392 : vector<384x300xf32>
    %add3A_394 = vector.broadcast %get3A_91 : vector<1x300xf32> to vector<384x300xf32>
    %add3A_395 = arith.addf %add3A_393, %add3A_394 : vector<384x300xf32>
    %max3A_396 = arith.constant 0.000000e+00 : f32
    %max3A_397 = vector.broadcast %max3A_396 : f32 to vector<384x300xf32>
    %max3A_398 = arith.maximumf %add3A_395, %max3A_397 : vector<384x300xf32>
    %reshape3A_399 = vector.shape_cast %max3A_398 : vector<384x300xf32> to vector<16x24x300xf32>
    %convert_element_type3A_400 = arith.truncf %reshape3A_399 : vector<16x24x300xf32> to vector<16x24x300xbf16>
    %convert_element_type3A_401 = arith.extf %convert_element_type3A_400 : vector<16x24x300xbf16> to vector<16x24x300xf32>
    %mul3A_402 = vector.broadcast %convert_element_type3A_96 : vector<1x1x300xf32> to vector<16x24x300xf32>
    %mul3A_403 = arith.mulf %convert_element_type3A_401, %mul3A_402 : vector<16x24x300xf32>
    %reduce_sum3A_404 = arith.constant dense<0.000000e+00> : vector<16x24xf32>
    %reduce_sum3A_405 = vector.multi_reduction <add>, %mul3A_403, %reduce_sum3A_404 [2] : vector<16x24x300xf32> to vector<16x24xf32>
    %reduce_max3A_406 = arith.constant dense<0xFF800000> : vector<16xf32>
    %reduce_max3A_407 = vector.multi_reduction <maximumf>, %reduce_sum3A_405, %reduce_max3A_406 [1] : vector<16x24xf32> to vector<16xf32>
    %broadcast_in_dim3A_408 = vector.shape_cast %reduce_max3A_407 : vector<16xf32> to vector<16x1xf32>
    %sub3A_409 = vector.broadcast %broadcast_in_dim3A_408 : vector<16x1xf32> to vector<16x24xf32>
    %sub3A_410 = arith.subf %reduce_sum3A_405, %sub3A_409 : vector<16x24xf32>
    %exp3A_411 = math.exp %sub3A_410 : vector<16x24xf32>
    %reduce_sum3A_412 = arith.constant dense<0.000000e+00> : vector<16xf32>
    %reduce_sum3A_413 = vector.multi_reduction <add>, %exp3A_411, %reduce_sum3A_412 [1] : vector<16x24xf32> to vector<16xf32>
    %broadcast_in_dim3A_414 = vector.shape_cast %reduce_sum3A_413 : vector<16xf32> to vector<16x1xf32>
    %div3A_415 = vector.broadcast %broadcast_in_dim3A_414 : vector<16x1xf32> to vector<16x24xf32>
    %div3A_416 = arith.divf %exp3A_411, %div3A_415 : vector<16x24xf32>
    %broadcast_in_dim3A_417 = vector.shape_cast %div3A_416 : vector<16x24xf32> to vector<16x24x1xf32>
    %mul3A_418 = vector.broadcast %broadcast_in_dim3A_417 : vector<16x24x1xf32> to vector<16x24x300xf32>
    %mul3A_419 = arith.mulf %mul3A_418, %reshape3A_399 : vector<16x24x300xf32>
    %reduce_sum3A_420 = arith.constant dense<0.000000e+00> : vector<16x300xf32>
    %reduce_sum3A_421 = vector.multi_reduction <add>, %mul3A_419, %reduce_sum3A_420 [1] : vector<16x24x300xf32> to vector<16x300xf32>
    %swap3A_422 = arith.constant 32 : index
    %swap3A_423 = arith.constant 0 : index
    %swap3A_424 = vector.load %arg8[%swap3A_422, %swap3A_423] : memref<64x300xf32, #tpu.memory_space<vmem>>, vector<16x300xf32>
    tpu.vector_store %arg8[%swap3A_422, %swap3A_423], %reduce_sum3A_421 {strides = array<i32>} : memref<64x300xf32, #tpu.memory_space<vmem>>, vector<16x300xf32>,
    %get3A_425 = arith.constant 1152 : index
    %get3A_426 = arith.constant 0 : index
    %get3A_427 = vector.load %arg1[%get3A_425, %get3A_426] : memref<1536x64xf32, #tpu.memory_space<vmem>>, vector<384x64xf32>
    %get3A_428 = arith.constant 1152 : index
    %get3A_429 = arith.constant 0 : index
    %get3A_430 = vector.load %arg2[%get3A_428, %get3A_429] : memref<1536x24xf32, #tpu.memory_space<vmem>>, vector<384x24xf32>
    %dot_general3A_431 = arith.constant dense<0.000000e+00> : vector<384x300xf32>
    %dot_general3A_432 = tpu.matmul %get3A_427, %get3A_82, %dot_general3A_431 {dimension_numbers = #tpu.dot_dimension_numbers<[1], [0], [0], [1], [0, 0, 1, 1], [], []>, transpose_lhs_hint = false} : vector<384x64xf32>, vector<64x300xf32>, vector<384x300xf32> -> vector<384x300xf32>
    %add3A_433 = vector.broadcast %get3A_85 : vector<1x300xf32> to vector<384x300xf32>
    %add3A_434 = arith.addf %dot_general3A_432, %add3A_433 : vector<384x300xf32>
    %max3A_435 = arith.constant 0.000000e+00 : f32
    %max3A_436 = vector.broadcast %max3A_435 : f32 to vector<384x300xf32>
    %max3A_437 = arith.maximumf %add3A_434, %max3A_436 : vector<384x300xf32>
    %dot_general3A_438 = arith.constant dense<0.000000e+00> : vector<384x384xf32>
    %dot_general3A_439 = tpu.matmul %get3A_430, %convert_element_type3A_16, %dot_general3A_438 {dimension_numbers = #tpu.dot_dimension_numbers<[1], [0], [0], [1], [0, 0, 1, 1], [], []>, transpose_lhs_hint = false} : vector<384x24xf32>, vector<24x384xf32>, vector<384x384xf32> -> vector<384x384xf32>
    %mul3A_440 = arith.mulf %dot_general3A_439, %convert_element_type3A_80 : vector<384x384xf32>
    %convert_element_type3A_441 = arith.truncf %mul3A_440 : vector<384x384xf32> to vector<384x384xbf16>
    %convert_element_type3A_442 = arith.truncf %max3A_437 : vector<384x300xf32> to vector<384x300xbf16>
    %convert_element_type3A_443 = arith.extf %convert_element_type3A_442 : vector<384x300xbf16> to vector<384x300xf32>
    %sub3A_444 = arith.subf %max3A_437, %convert_element_type3A_443 : vector<384x300xf32>
    %convert_element_type3A_445 = arith.truncf %sub3A_444 : vector<384x300xf32> to vector<384x300xbf16>
    %convert_element_type3A_446 = arith.extf %convert_element_type3A_445 : vector<384x300xbf16> to vector<384x300xf32>
    %sub3A_447 = arith.subf %sub3A_444, %convert_element_type3A_446 : vector<384x300xf32>
    %convert_element_type3A_448 = arith.truncf %sub3A_447 : vector<384x300xf32> to vector<384x300xbf16>
    %dot_general3A_449 = arith.constant dense<0.000000e+00> : vector<384x300xf32>
    %dot_general3A_450 = tpu.matmul %convert_element_type3A_441, %convert_element_type3A_442, %dot_general3A_449 {dimension_numbers = #tpu.dot_dimension_numbers<[1], [0], [0], [1], [0, 0, 1, 1], [], []>, transpose_lhs_hint = false} : vector<384x384xbf16>, vector<384x300xbf16>, vector<384x300xf32> -> vector<384x300xf32>
    %dot_general3A_451 = arith.constant dense<0.000000e+00> : vector<384x300xf32>
    %dot_general3A_452 = tpu.matmul %convert_element_type3A_441, %convert_element_type3A_445, %dot_general3A_451 {dimension_numbers = #tpu.dot_dimension_numbers<[1], [0], [0], [1], [0, 0, 1, 1], [], []>, transpose_lhs_hint = false} : vector<384x384xbf16>, vector<384x300xbf16>, vector<384x300xf32> -> vector<384x300xf32>
    %add3A_453 = arith.addf %dot_general3A_450, %dot_general3A_452 : vector<384x300xf32>
    %dot_general3A_454 = arith.constant dense<0.000000e+00> : vector<384x300xf32>
    %dot_general3A_455 = tpu.matmul %convert_element_type3A_441, %convert_element_type3A_448, %dot_general3A_454 {dimension_numbers = #tpu.dot_dimension_numbers<[1], [0], [0], [1], [0, 0, 1, 1], [], []>, transpose_lhs_hint = false} : vector<384x384xbf16>, vector<384x300xbf16>, vector<384x300xf32> -> vector<384x300xf32>
    %add3A_456 = arith.addf %add3A_453, %dot_general3A_455 : vector<384x300xf32>
    %dot_general3A_457 = arith.constant dense<0.000000e+00> : vector<384x300xf32>
    %dot_general3A_458 = tpu.matmul %add3A_456, %get3A_88, %dot_general3A_457 {dimension_numbers = #tpu.dot_dimension_numbers<[1], [0], [0], [1], [0, 0, 1, 1], [], []>, transpose_lhs_hint = false} : vector<384x300xf32>, vector<300x300xf32>, vector<384x300xf32> -> vector<384x300xf32>
    %add3A_459 = arith.addf %max3A_437, %dot_general3A_458 : vector<384x300xf32>
    %add3A_460 = vector.broadcast %get3A_91 : vector<1x300xf32> to vector<384x300xf32>
    %add3A_461 = arith.addf %add3A_459, %add3A_460 : vector<384x300xf32>
    %max3A_462 = arith.constant 0.000000e+00 : f32
    %max3A_463 = vector.broadcast %max3A_462 : f32 to vector<384x300xf32>
    %max3A_464 = arith.maximumf %add3A_461, %max3A_463 : vector<384x300xf32>
    %convert_element_type3A_465 = arith.truncf %max3A_464 : vector<384x300xf32> to vector<384x300xbf16>
    %convert_element_type3A_466 = arith.extf %convert_element_type3A_465 : vector<384x300xbf16> to vector<384x300xf32>
    %sub3A_467 = arith.subf %max3A_464, %convert_element_type3A_466 : vector<384x300xf32>
    %convert_element_type3A_468 = arith.truncf %sub3A_467 : vector<384x300xf32> to vector<384x300xbf16>
    %convert_element_type3A_469 = arith.extf %convert_element_type3A_468 : vector<384x300xbf16> to vector<384x300xf32>
    %sub3A_470 = arith.subf %sub3A_467, %convert_element_type3A_469 : vector<384x300xf32>
    %convert_element_type3A_471 = arith.truncf %sub3A_470 : vector<384x300xf32> to vector<384x300xbf16>
    %dot_general3A_472 = arith.constant dense<0.000000e+00> : vector<384x300xf32>
    %dot_general3A_473 = tpu.matmul %convert_element_type3A_441, %convert_element_type3A_465, %dot_general3A_472 {dimension_numbers = #tpu.dot_dimension_numbers<[1], [0], [0], [1], [0, 0, 1, 1], [], []>, transpose_lhs_hint = false} : vector<384x384xbf16>, vector<384x300xbf16>, vector<384x300xf32> -> vector<384x300xf32>
    %dot_general3A_474 = arith.constant dense<0.000000e+00> : vector<384x300xf32>
    %dot_general3A_475 = tpu.matmul %convert_element_type3A_441, %convert_element_type3A_468, %dot_general3A_474 {dimension_numbers = #tpu.dot_dimension_numbers<[1], [0], [0], [1], [0, 0, 1, 1], [], []>, transpose_lhs_hint = false} : vector<384x384xbf16>, vector<384x300xbf16>, vector<384x300xf32> -> vector<384x300xf32>
    %add3A_476 = arith.addf %dot_general3A_473, %dot_general3A_475 : vector<384x300xf32>
    %dot_general3A_477 = arith.constant dense<0.000000e+00> : vector<384x300xf32>
    %dot_general3A_478 = tpu.matmul %convert_element_type3A_441, %convert_element_type3A_471, %dot_general3A_477 {dimension_numbers = #tpu.dot_dimension_numbers<[1], [0], [0], [1], [0, 0, 1, 1], [], []>, transpose_lhs_hint = false} : vector<384x384xbf16>, vector<384x300xbf16>, vector<384x300xf32> -> vector<384x300xf32>
    %add3A_479 = arith.addf %add3A_476, %dot_general3A_478 : vector<384x300xf32>
    %dot_general3A_480 = arith.constant dense<0.000000e+00> : vector<384x300xf32>
    %dot_general3A_481 = tpu.matmul %add3A_479, %get3A_88, %dot_general3A_480 {dimension_numbers = #tpu.dot_dimension_numbers<[1], [0], [0], [1], [0, 0, 1, 1], [], []>, transpose_lhs_hint = false} : vector<384x300xf32>, vector<300x300xf32>, vector<384x300xf32> -> vector<384x300xf32>
    %add3A_482 = arith.addf %max3A_437, %dot_general3A_481 : vector<384x300xf32>
    %add3A_483 = vector.broadcast %get3A_91 : vector<1x300xf32> to vector<384x300xf32>
    %add3A_484 = arith.addf %add3A_482, %add3A_483 : vector<384x300xf32>
    %max3A_485 = arith.constant 0.000000e+00 : f32
    %max3A_486 = vector.broadcast %max3A_485 : f32 to vector<384x300xf32>
    %max3A_487 = arith.maximumf %add3A_484, %max3A_486 : vector<384x300xf32>
    %convert_element_type3A_488 = arith.truncf %max3A_487 : vector<384x300xf32> to vector<384x300xbf16>
    %convert_element_type3A_489 = arith.extf %convert_element_type3A_488 : vector<384x300xbf16> to vector<384x300xf32>
    %sub3A_490 = arith.subf %max3A_487, %convert_element_type3A_489 : vector<384x300xf32>
    %convert_element_type3A_491 = arith.truncf %sub3A_490 : vector<384x300xf32> to vector<384x300xbf16>
    %convert_element_type3A_492 = arith.extf %convert_element_type3A_491 : vector<384x300xbf16> to vector<384x300xf32>
    %sub3A_493 = arith.subf %sub3A_490, %convert_element_type3A_492 : vector<384x300xf32>
    %convert_element_type3A_494 = arith.truncf %sub3A_493 : vector<384x300xf32> to vector<384x300xbf16>
    %dot_general3A_495 = arith.constant dense<0.000000e+00> : vector<384x300xf32>
    %dot_general3A_496 = tpu.matmul %convert_element_type3A_441, %convert_element_type3A_488, %dot_general3A_495 {dimension_numbers = #tpu.dot_dimension_numbers<[1], [0], [0], [1], [0, 0, 1, 1], [], []>, transpose_lhs_hint = false} : vector<384x384xbf16>, vector<384x300xbf16>, vector<384x300xf32> -> vector<384x300xf32>
    %dot_general3A_497 = arith.constant dense<0.000000e+00> : vector<384x300xf32>
    %dot_general3A_498 = tpu.matmul %convert_element_type3A_441, %convert_element_type3A_491, %dot_general3A_497 {dimension_numbers = #tpu.dot_dimension_numbers<[1], [0], [0], [1], [0, 0, 1, 1], [], []>, transpose_lhs_hint = false} : vector<384x384xbf16>, vector<384x300xbf16>, vector<384x300xf32> -> vector<384x300xf32>
    %add3A_499 = arith.addf %dot_general3A_496, %dot_general3A_498 : vector<384x300xf32>
    %dot_general3A_500 = arith.constant dense<0.000000e+00> : vector<384x300xf32>
    %dot_general3A_501 = tpu.matmul %convert_element_type3A_441, %convert_element_type3A_494, %dot_general3A_500 {dimension_numbers = #tpu.dot_dimension_numbers<[1], [0], [0], [1], [0, 0, 1, 1], [], []>, transpose_lhs_hint = false} : vector<384x384xbf16>, vector<384x300xbf16>, vector<384x300xf32> -> vector<384x300xf32>
    %add3A_502 = arith.addf %add3A_499, %dot_general3A_501 : vector<384x300xf32>
    %dot_general3A_503 = arith.constant dense<0.000000e+00> : vector<384x300xf32>
    %dot_general3A_504 = tpu.matmul %add3A_502, %get3A_88, %dot_general3A_503 {dimension_numbers = #tpu.dot_dimension_numbers<[1], [0], [0], [1], [0, 0, 1, 1], [], []>, transpose_lhs_hint = false} : vector<384x300xf32>, vector<300x300xf32>, vector<384x300xf32> -> vector<384x300xf32>
    %add3A_505 = arith.addf %max3A_437, %dot_general3A_504 : vector<384x300xf32>
    %add3A_506 = vector.broadcast %get3A_91 : vector<1x300xf32> to vector<384x300xf32>
    %add3A_507 = arith.addf %add3A_505, %add3A_506 : vector<384x300xf32>
    %max3A_508 = arith.constant 0.000000e+00 : f32
    %max3A_509 = vector.broadcast %max3A_508 : f32 to vector<384x300xf32>
    %max3A_510 = arith.maximumf %add3A_507, %max3A_509 : vector<384x300xf32>
    %reshape3A_511 = vector.shape_cast %max3A_510 : vector<384x300xf32> to vector<16x24x300xf32>
    %convert_element_type3A_512 = arith.truncf %reshape3A_511 : vector<16x24x300xf32> to vector<16x24x300xbf16>
    %convert_element_type3A_513 = arith.extf %convert_element_type3A_512 : vector<16x24x300xbf16> to vector<16x24x300xf32>
    %mul3A_514 = vector.broadcast %convert_element_type3A_96 : vector<1x1x300xf32> to vector<16x24x300xf32>
    %mul3A_515 = arith.mulf %convert_element_type3A_513, %mul3A_514 : vector<16x24x300xf32>
    %reduce_sum3A_516 = arith.constant dense<0.000000e+00> : vector<16x24xf32>
    %reduce_sum3A_517 = vector.multi_reduction <add>, %mul3A_515, %reduce_sum3A_516 [2] : vector<16x24x300xf32> to vector<16x24xf32>
    %reduce_max3A_518 = arith.constant dense<0xFF800000> : vector<16xf32>
    %reduce_max3A_519 = vector.multi_reduction <maximumf>, %reduce_sum3A_517, %reduce_max3A_518 [1] : vector<16x24xf32> to vector<16xf32>
    %broadcast_in_dim3A_520 = vector.shape_cast %reduce_max3A_519 : vector<16xf32> to vector<16x1xf32>
    %sub3A_521 = vector.broadcast %broadcast_in_dim3A_520 : vector<16x1xf32> to vector<16x24xf32>
    %sub3A_522 = arith.subf %reduce_sum3A_517, %sub3A_521 : vector<16x24xf32>
    %exp3A_523 = math.exp %sub3A_522 : vector<16x24xf32>
    %reduce_sum3A_524 = arith.constant dense<0.000000e+00> : vector<16xf32>
    %reduce_sum3A_525 = vector.multi_reduction <add>, %exp3A_523, %reduce_sum3A_524 [1] : vector<16x24xf32> to vector<16xf32>
    %broadcast_in_dim3A_526 = vector.shape_cast %reduce_sum3A_525 : vector<16xf32> to vector<16x1xf32>
    %div3A_527 = vector.broadcast %broadcast_in_dim3A_526 : vector<16x1xf32> to vector<16x24xf32>
    %div3A_528 = arith.divf %exp3A_523, %div3A_527 : vector<16x24xf32>
    %broadcast_in_dim3A_529 = vector.shape_cast %div3A_528 : vector<16x24xf32> to vector<16x24x1xf32>
    %mul3A_530 = vector.broadcast %broadcast_in_dim3A_529 : vector<16x24x1xf32> to vector<16x24x300xf32>
    %mul3A_531 = arith.mulf %mul3A_530, %reshape3A_511 : vector<16x24x300xf32>
    %reduce_sum3A_532 = arith.constant dense<0.000000e+00> : vector<16x300xf32>
    %reduce_sum3A_533 = vector.multi_reduction <add>, %mul3A_531, %reduce_sum3A_532 [1] : vector<16x24x300xf32> to vector<16x300xf32>
    %swap3A_534 = arith.constant 48 : index
    %swap3A_535 = arith.constant 0 : index
    %swap3A_536 = vector.load %arg8[%swap3A_534, %swap3A_535] : memref<64x300xf32, #tpu.memory_space<vmem>>, vector<16x300xf32>
    tpu.vector_store %arg8[%swap3A_534, %swap3A_535], %reduce_sum3A_533 {strides = array<i32>} : memref<64x300xf32, #tpu.memory_space<vmem>>, vector<16x300xf32>,
    return
  }
  func.func @transform_0(%arg0: i32) -> (i32, i32) {
    %c0_i32 = arith.constant 0 : i32
    %c0_i32_0 = arith.constant 0 : i32
    return %arg0, %c0_i32 : i32, i32
  }
  func.func @transform_1(%arg0: i32) -> (i32, i32) {
    %c0_i32 = arith.constant 0 : i32
    %c0_i32_0 = arith.constant 0 : i32
    return %arg0, %c0_i32 : i32, i32
  }
  func.func @transform_2(%arg0: i32) -> (i32, i32) {
    %c0_i32 = arith.constant 0 : i32
    %c0_i32_0 = arith.constant 0 : i32
    %c0_i32_1 = arith.constant 0 : i32
    return %c0_i32, %c0_i32_0 : i32, i32
  }
  func.func @transform_3(%arg0: i32) -> (i32, i32) {
    %c0_i32 = arith.constant 0 : i32
    %c0_i32_0 = arith.constant 0 : i32
    %c0_i32_1 = arith.constant 0 : i32
    return %c0_i32, %c0_i32_0 : i32, i32
  }
  func.func @transform_4(%arg0: i32) -> (i32, i32) {
    %c0_i32 = arith.constant 0 : i32
    %c0_i32_0 = arith.constant 0 : i32
    %c0_i32_1 = arith.constant 0 : i32
    return %c0_i32, %c0_i32_0 : i32, i32
  }
  func.func @transform_5(%arg0: i32) -> (i32, i32) {
    %c0_i32 = arith.constant 0 : i32
    %c0_i32_0 = arith.constant 0 : i32
    %c0_i32_1 = arith.constant 0 : i32
    return %c0_i32, %c0_i32_0 : i32, i32
  }
  func.func @transform_6(%arg0: i32) -> (i32, i32) {
    %c0_i32 = arith.constant 0 : i32
    %c0_i32_0 = arith.constant 0 : i32
    %c0_i32_1 = arith.constant 0 : i32
    return %c0_i32, %c0_i32_0 : i32, i32
  }
  func.func @transform_7(%arg0: i32) -> (i32, i32) {
    %c0_i32 = arith.constant 0 : i32
    %c0_i32_0 = arith.constant 0 : i32
    return %arg0, %c0_i32 : i32, i32
  }
}

module attributes {stable_mosaic.version = 14 : i64} {
  func.func @_mpnn_kernel(%arg0: i32, %arg1: memref<1536x64xf32, #tpu.memory_space<vmem>>, %arg2: memref<1536x12xf32, #tpu.memory_space<vmem>>, %arg3: memref<64x300xf32, #tpu.memory_space<vmem>>, %arg4: memref<1x300xf32, #tpu.memory_space<vmem>>, %arg5: memref<300x300xf32, #tpu.memory_space<vmem>>, %arg6: memref<1x300xf32, #tpu.memory_space<vmem>>, %arg7: memref<1x300xf32, #tpu.memory_space<vmem>>, %arg8: memref<128x300xf32, #tpu.memory_space<vmem>>) attributes {dimension_semantics = [#tpu.dimension_semantics<arbitrary>], iteration_bounds = array<i64: 8>, scalar_prefetch = 0 : i64, scratch_operands = 0 : i64, tpu.core_type = #tpu.core_type<tc>, window_params = [{transform_indices = @transform_0, window_bounds = array<i64: 1536, 64>}, {transform_indices = @transform_1, window_bounds = array<i64: 1536, 12>}, {pipeline_mode = #tpu.pipeline_mode<synchronous>, transform_indices = @transform_2, window_bounds = array<i64: 64, 300>}, {pipeline_mode = #tpu.pipeline_mode<synchronous>, transform_indices = @transform_3, window_bounds = array<i64: 1, 300>}, {pipeline_mode = #tpu.pipeline_mode<synchronous>, transform_indices = @transform_4, window_bounds = array<i64: 300, 300>}, {pipeline_mode = #tpu.pipeline_mode<synchronous>, transform_indices = @transform_5, window_bounds = array<i64: 1, 300>}, {pipeline_mode = #tpu.pipeline_mode<synchronous>, transform_indices = @transform_6, window_bounds = array<i64: 1, 300>}, {transform_indices = @transform_7, window_bounds = array<i64: 128, 300>}]} {
    %iota3A = tpu.iota {dimensions = array<i32: 1>} : vector<12x384xi32>
    %iota3A_0 = tpu.iota {dimensions = array<i32: 0>} : vector<12x384xi32>
    %jit3A = arith.constant 12 : i32
    %eq3A = arith.constant 0 : i32
    %eq3A_1 = arith.cmpi eq, %jit3A, %eq3A : i32
    %jit3A_2 = arith.constant 1 : i32
    %select_n3A = arith.select %eq3A_1, %jit3A_2, %jit3A : i32
    %rem3A = vector.broadcast %select_n3A : i32 to vector<12x384xi32>
    %rem3A_3 = arith.remsi %iota3A, %rem3A : vector<12x384xi32>
    %ne3A = arith.constant 0 : i32
    %ne3A_4 = vector.broadcast %ne3A : i32 to vector<12x384xi32>
    %ne3A_5 = arith.cmpi ne, %rem3A_3, %ne3A_4 : vector<12x384xi32>
    %lt3A = arith.constant 0 : i32
    %lt3A_6 = vector.broadcast %lt3A : i32 to vector<12x384xi32>
    %lt3A_7 = arith.cmpi slt, %rem3A_3, %lt3A_6 : vector<12x384xi32>
    %lt3A_8 = arith.constant 0 : i32
    %lt3A_9 = arith.cmpi slt, %select_n3A, %lt3A_8 : i32
    %ne3A_10 = vector.broadcast %lt3A_9 : i1 to vector<12x384xi1>
    %ne3A_11 = vector.broadcast %ne3A_10 : vector<12x384xi1> to vector<12x384xi1>
    %ne3A_12 = arith.xori %lt3A_7, %ne3A_11 : vector<12x384xi1>
    %and3A = arith.andi %ne3A_12, %ne3A_5 : vector<12x384xi1>
    %add3A = vector.broadcast %select_n3A : i32 to vector<12x384xi32>
    %add3A_13 = arith.addi %rem3A_3, %add3A : vector<12x384xi32>
    %select_n3A_14 = arith.select %and3A, %add3A_13, %rem3A_3 : vector<12x384xi1>, vector<12x384xi32>
    %eq3A_15 = arith.cmpi eq, %select_n3A_14, %iota3A_0 : vector<12x384xi32>
    %convert_element_type3A = arith.extui %eq3A_15 : vector<12x384xi1> to vector<12x384xi32>
    %convert_element_type3A_16 = arith.sitofp %convert_element_type3A : vector<12x384xi32> to vector<12x384xf32>
    %iota3A_17 = tpu.iota {dimensions = array<i32: 0>} : vector<384x384xi32>
    %iota3A_18 = tpu.iota {dimensions = array<i32: 1>} : vector<384x384xi32>
    %jit3A_19 = arith.constant 12 : i32
    %div3A = vector.broadcast %jit3A_19 : i32 to vector<384x384xi32>
    %div3A_20 = arith.divsi %iota3A_17, %div3A : vector<384x384xi32>
    %sign3A = arith.constant 0 : i32
    %sign3A_21 = vector.broadcast %sign3A : i32 to vector<384x384xi32>
    %sign3A_22 = arith.cmpi sgt, %iota3A_17, %sign3A_21 : vector<384x384xi32>
    %sign3A_23 = arith.extui %sign3A_22 : vector<384x384xi1> to vector<384x384xi32>
    %sign3A_24 = arith.constant 0 : i32
    %sign3A_25 = vector.broadcast %sign3A_24 : i32 to vector<384x384xi32>
    %sign3A_26 = arith.cmpi slt, %iota3A_17, %sign3A_25 : vector<384x384xi32>
    %sign3A_27 = arith.extui %sign3A_26 : vector<384x384xi1> to vector<384x384xi32>
    %sign3A_28 = arith.subi %sign3A_23, %sign3A_27 : vector<384x384xi32>
    %sign3A_29 = arith.constant 0 : i32
    %sign3A_30 = arith.cmpi sgt, %jit3A_19, %sign3A_29 : i32
    %sign3A_31 = arith.extui %sign3A_30 : i1 to i32
    %sign3A_32 = arith.constant 0 : i32
    %sign3A_33 = arith.cmpi slt, %jit3A_19, %sign3A_32 : i32
    %sign3A_34 = arith.extui %sign3A_33 : i1 to i32
    %sign3A_35 = arith.subi %sign3A_31, %sign3A_34 : i32
    %ne3A_36 = vector.broadcast %sign3A_35 : i32 to vector<384x384xi32>
    %ne3A_37 = arith.cmpi ne, %sign3A_28, %ne3A_36 : vector<384x384xi32>
    %rem3A_38 = vector.broadcast %jit3A_19 : i32 to vector<384x384xi32>
    %rem3A_39 = arith.remsi %iota3A_17, %rem3A_38 : vector<384x384xi32>
    %ne3A_40 = arith.constant 0 : i32
    %ne3A_41 = vector.broadcast %ne3A_40 : i32 to vector<384x384xi32>
    %ne3A_42 = arith.cmpi ne, %rem3A_39, %ne3A_41 : vector<384x384xi32>
    %and3A_43 = arith.andi %ne3A_37, %ne3A_42 : vector<384x384xi1>
    %sub3A = arith.constant 1 : i32
    %sub3A_44 = vector.broadcast %sub3A : i32 to vector<384x384xi32>
    %sub3A_45 = arith.subi %div3A_20, %sub3A_44 : vector<384x384xi32>
    %select_n3A_46 = arith.select %and3A_43, %sub3A_45, %div3A_20 : vector<384x384xi1>, vector<384x384xi32>
    %jit3A_47 = arith.constant 12 : i32
    %div3A_48 = vector.broadcast %jit3A_47 : i32 to vector<384x384xi32>
    %div3A_49 = arith.divsi %iota3A_18, %div3A_48 : vector<384x384xi32>
    %sign3A_50 = arith.constant 0 : i32
    %sign3A_51 = vector.broadcast %sign3A_50 : i32 to vector<384x384xi32>
    %sign3A_52 = arith.cmpi sgt, %iota3A_18, %sign3A_51 : vector<384x384xi32>
    %sign3A_53 = arith.extui %sign3A_52 : vector<384x384xi1> to vector<384x384xi32>
    %sign3A_54 = arith.constant 0 : i32
    %sign3A_55 = vector.broadcast %sign3A_54 : i32 to vector<384x384xi32>
    %sign3A_56 = arith.cmpi slt, %iota3A_18, %sign3A_55 : vector<384x384xi32>
    %sign3A_57 = arith.extui %sign3A_56 : vector<384x384xi1> to vector<384x384xi32>
    %sign3A_58 = arith.subi %sign3A_53, %sign3A_57 : vector<384x384xi32>
    %sign3A_59 = arith.constant 0 : i32
    %sign3A_60 = arith.cmpi sgt, %jit3A_47, %sign3A_59 : i32
    %sign3A_61 = arith.extui %sign3A_60 : i1 to i32
    %sign3A_62 = arith.constant 0 : i32
    %sign3A_63 = arith.cmpi slt, %jit3A_47, %sign3A_62 : i32
    %sign3A_64 = arith.extui %sign3A_63 : i1 to i32
    %sign3A_65 = arith.subi %sign3A_61, %sign3A_64 : i32
    %ne3A_66 = vector.broadcast %sign3A_65 : i32 to vector<384x384xi32>
    %ne3A_67 = arith.cmpi ne, %sign3A_58, %ne3A_66 : vector<384x384xi32>
    %rem3A_68 = vector.broadcast %jit3A_47 : i32 to vector<384x384xi32>
    %rem3A_69 = arith.remsi %iota3A_18, %rem3A_68 : vector<384x384xi32>
    %ne3A_70 = arith.constant 0 : i32
    %ne3A_71 = vector.broadcast %ne3A_70 : i32 to vector<384x384xi32>
    %ne3A_72 = arith.cmpi ne, %rem3A_69, %ne3A_71 : vector<384x384xi32>
    %and3A_73 = arith.andi %ne3A_67, %ne3A_72 : vector<384x384xi1>
    %sub3A_74 = arith.constant 1 : i32
    %sub3A_75 = vector.broadcast %sub3A_74 : i32 to vector<384x384xi32>
    %sub3A_76 = arith.subi %div3A_49, %sub3A_75 : vector<384x384xi32>
    %select_n3A_77 = arith.select %and3A_73, %sub3A_76, %div3A_49 : vector<384x384xi1>, vector<384x384xi32>
    %eq3A_78 = arith.cmpi eq, %select_n3A_46, %select_n3A_77 : vector<384x384xi32>
    %convert_element_type3A_79 = arith.extui %eq3A_78 : vector<384x384xi1> to vector<384x384xi32>
    %convert_element_type3A_80 = arith.sitofp %convert_element_type3A_79 : vector<384x384xi32> to vector<384x384xf32>
    %get3A = arith.constant 0 : index
    %get3A_81 = arith.constant 0 : index
    %get3A_82 = vector.load %arg3[%get3A, %get3A_81] : memref<64x300xf32, #tpu.memory_space<vmem>>, vector<64x300xf32>
    %get3A_83 = arith.constant 0 : index
    %get3A_84 = arith.constant 0 : index
    %get3A_85 = vector.load %arg4[%get3A_83, %get3A_84] : memref<1x300xf32, #tpu.memory_space<vmem>>, vector<1x300xf32>
    %get3A_86 = arith.constant 0 : index
    %get3A_87 = arith.constant 0 : index
    %get3A_88 = vector.load %arg5[%get3A_86, %get3A_87] : memref<300x300xf32, #tpu.memory_space<vmem>>, vector<300x300xf32>
    %get3A_89 = arith.constant 0 : index
    %get3A_90 = arith.constant 0 : index
    %get3A_91 = vector.load %arg6[%get3A_89, %get3A_90] : memref<1x300xf32, #tpu.memory_space<vmem>>, vector<1x300xf32>
    %get3A_92 = arith.constant 0 : index
    %get3A_93 = arith.constant 0 : index
    %get3A_94 = vector.load %arg7[%get3A_92, %get3A_93] : memref<1x300xf32, #tpu.memory_space<vmem>>, vector<1x300xf32>
    %reshape3A = vector.shape_cast %get3A_94 : vector<1x300xf32> to vector<1x1x300xf32>
    %convert_element_type3A_95 = arith.truncf %reshape3A : vector<1x1x300xf32> to vector<1x1x300xbf16>
    %convert_element_type3A_96 = arith.extf %convert_element_type3A_95 : vector<1x1x300xbf16> to vector<1x1x300xf32>
    %get3A_97 = arith.constant 0 : index
    %get3A_98 = arith.constant 0 : index
    %get3A_99 = vector.load %arg1[%get3A_97, %get3A_98] : memref<1536x64xf32, #tpu.memory_space<vmem>>, vector<384x64xf32>
    %get3A_100 = arith.constant 0 : index
    %get3A_101 = arith.constant 0 : index
    %get3A_102 = vector.load %arg2[%get3A_100, %get3A_101] : memref<1536x12xf32, #tpu.memory_space<vmem>>, vector<384x12xf32>
    %dot_general3A = arith.constant dense<0.000000e+00> : vector<384x300xf32>
    %dot_general3A_103 = tpu.matmul %get3A_99, %get3A_82, %dot_general3A {dimension_numbers = #tpu.dot_dimension_numbers<[1], [0], [0], [1], [0, 0, 1, 1], [], []>, transpose_lhs_hint = false} : vector<384x64xf32>, vector<64x300xf32>, vector<384x300xf32> -> vector<384x300xf32>
    %add3A_104 = vector.broadcast %get3A_85 : vector<1x300xf32> to vector<384x300xf32>
    %add3A_105 = arith.addf %dot_general3A_103, %add3A_104 : vector<384x300xf32>
    %max3A = arith.constant 0.000000e+00 : f32
    %max3A_106 = vector.broadcast %max3A : f32 to vector<384x300xf32>
    %max3A_107 = arith.maximumf %add3A_105, %max3A_106 : vector<384x300xf32>
    %dot_general3A_108 = arith.constant dense<0.000000e+00> : vector<384x384xf32>
    %dot_general3A_109 = tpu.matmul %get3A_102, %convert_element_type3A_16, %dot_general3A_108 {dimension_numbers = #tpu.dot_dimension_numbers<[1], [0], [0], [1], [0, 0, 1, 1], [], []>, transpose_lhs_hint = false} : vector<384x12xf32>, vector<12x384xf32>, vector<384x384xf32> -> vector<384x384xf32>
    %mul3A = arith.mulf %dot_general3A_109, %convert_element_type3A_80 : vector<384x384xf32>
    %convert_element_type3A_110 = arith.truncf %mul3A : vector<384x384xf32> to vector<384x384xbf16>
    %convert_element_type3A_111 = arith.truncf %max3A_107 : vector<384x300xf32> to vector<384x300xbf16>
    %convert_element_type3A_112 = arith.extf %convert_element_type3A_111 : vector<384x300xbf16> to vector<384x300xf32>
    %sub3A_113 = arith.subf %max3A_107, %convert_element_type3A_112 : vector<384x300xf32>
    %convert_element_type3A_114 = arith.truncf %sub3A_113 : vector<384x300xf32> to vector<384x300xbf16>
    %convert_element_type3A_115 = arith.extf %convert_element_type3A_114 : vector<384x300xbf16> to vector<384x300xf32>
    %sub3A_116 = arith.subf %sub3A_113, %convert_element_type3A_115 : vector<384x300xf32>
    %convert_element_type3A_117 = arith.truncf %sub3A_116 : vector<384x300xf32> to vector<384x300xbf16>
    %dot_general3A_118 = arith.constant dense<0.000000e+00> : vector<384x300xf32>
    %dot_general3A_119 = tpu.matmul %convert_element_type3A_110, %convert_element_type3A_111, %dot_general3A_118 {dimension_numbers = #tpu.dot_dimension_numbers<[1], [0], [0], [1], [0, 0, 1, 1], [], []>, transpose_lhs_hint = false} : vector<384x384xbf16>, vector<384x300xbf16>, vector<384x300xf32> -> vector<384x300xf32>
    %dot_general3A_120 = arith.constant dense<0.000000e+00> : vector<384x300xf32>
    %dot_general3A_121 = tpu.matmul %convert_element_type3A_110, %convert_element_type3A_114, %dot_general3A_120 {dimension_numbers = #tpu.dot_dimension_numbers<[1], [0], [0], [1], [0, 0, 1, 1], [], []>, transpose_lhs_hint = false} : vector<384x384xbf16>, vector<384x300xbf16>, vector<384x300xf32> -> vector<384x300xf32>
    %add3A_122 = arith.addf %dot_general3A_119, %dot_general3A_121 : vector<384x300xf32>
    %dot_general3A_123 = arith.constant dense<0.000000e+00> : vector<384x300xf32>
    %dot_general3A_124 = tpu.matmul %convert_element_type3A_110, %convert_element_type3A_117, %dot_general3A_123 {dimension_numbers = #tpu.dot_dimension_numbers<[1], [0], [0], [1], [0, 0, 1, 1], [], []>, transpose_lhs_hint = false} : vector<384x384xbf16>, vector<384x300xbf16>, vector<384x300xf32> -> vector<384x300xf32>
    %add3A_125 = arith.addf %add3A_122, %dot_general3A_124 : vector<384x300xf32>
    %dot_general3A_126 = arith.constant dense<0.000000e+00> : vector<384x300xf32>
    %dot_general3A_127 = tpu.matmul %add3A_125, %get3A_88, %dot_general3A_126 {dimension_numbers = #tpu.dot_dimension_numbers<[1], [0], [0], [1], [0, 0, 1, 1], [], []>, transpose_lhs_hint = false} : vector<384x300xf32>, vector<300x300xf32>, vector<384x300xf32> -> vector<384x300xf32>
    %add3A_128 = arith.addf %max3A_107, %dot_general3A_127 : vector<384x300xf32>
    %add3A_129 = vector.broadcast %get3A_91 : vector<1x300xf32> to vector<384x300xf32>
    %add3A_130 = arith.addf %add3A_128, %add3A_129 : vector<384x300xf32>
    %max3A_131 = arith.constant 0.000000e+00 : f32
    %max3A_132 = vector.broadcast %max3A_131 : f32 to vector<384x300xf32>
    %max3A_133 = arith.maximumf %add3A_130, %max3A_132 : vector<384x300xf32>
    %convert_element_type3A_134 = arith.truncf %max3A_133 : vector<384x300xf32> to vector<384x300xbf16>
    %convert_element_type3A_135 = arith.extf %convert_element_type3A_134 : vector<384x300xbf16> to vector<384x300xf32>
    %sub3A_136 = arith.subf %max3A_133, %convert_element_type3A_135 : vector<384x300xf32>
    %convert_element_type3A_137 = arith.truncf %sub3A_136 : vector<384x300xf32> to vector<384x300xbf16>
    %convert_element_type3A_138 = arith.extf %convert_element_type3A_137 : vector<384x300xbf16> to vector<384x300xf32>
    %sub3A_139 = arith.subf %sub3A_136, %convert_element_type3A_138 : vector<384x300xf32>
    %convert_element_type3A_140 = arith.truncf %sub3A_139 : vector<384x300xf32> to vector<384x300xbf16>
    %dot_general3A_141 = arith.constant dense<0.000000e+00> : vector<384x300xf32>
    %dot_general3A_142 = tpu.matmul %convert_element_type3A_110, %convert_element_type3A_134, %dot_general3A_141 {dimension_numbers = #tpu.dot_dimension_numbers<[1], [0], [0], [1], [0, 0, 1, 1], [], []>, transpose_lhs_hint = false} : vector<384x384xbf16>, vector<384x300xbf16>, vector<384x300xf32> -> vector<384x300xf32>
    %dot_general3A_143 = arith.constant dense<0.000000e+00> : vector<384x300xf32>
    %dot_general3A_144 = tpu.matmul %convert_element_type3A_110, %convert_element_type3A_137, %dot_general3A_143 {dimension_numbers = #tpu.dot_dimension_numbers<[1], [0], [0], [1], [0, 0, 1, 1], [], []>, transpose_lhs_hint = false} : vector<384x384xbf16>, vector<384x300xbf16>, vector<384x300xf32> -> vector<384x300xf32>
    %add3A_145 = arith.addf %dot_general3A_142, %dot_general3A_144 : vector<384x300xf32>
    %dot_general3A_146 = arith.constant dense<0.000000e+00> : vector<384x300xf32>
    %dot_general3A_147 = tpu.matmul %convert_element_type3A_110, %convert_element_type3A_140, %dot_general3A_146 {dimension_numbers = #tpu.dot_dimension_numbers<[1], [0], [0], [1], [0, 0, 1, 1], [], []>, transpose_lhs_hint = false} : vector<384x384xbf16>, vector<384x300xbf16>, vector<384x300xf32> -> vector<384x300xf32>
    %add3A_148 = arith.addf %add3A_145, %dot_general3A_147 : vector<384x300xf32>
    %dot_general3A_149 = arith.constant dense<0.000000e+00> : vector<384x300xf32>
    %dot_general3A_150 = tpu.matmul %add3A_148, %get3A_88, %dot_general3A_149 {dimension_numbers = #tpu.dot_dimension_numbers<[1], [0], [0], [1], [0, 0, 1, 1], [], []>, transpose_lhs_hint = false} : vector<384x300xf32>, vector<300x300xf32>, vector<384x300xf32> -> vector<384x300xf32>
    %add3A_151 = arith.addf %max3A_107, %dot_general3A_150 : vector<384x300xf32>
    %add3A_152 = vector.broadcast %get3A_91 : vector<1x300xf32> to vector<384x300xf32>
    %add3A_153 = arith.addf %add3A_151, %add3A_152 : vector<384x300xf32>
    %max3A_154 = arith.constant 0.000000e+00 : f32
    %max3A_155 = vector.broadcast %max3A_154 : f32 to vector<384x300xf32>
    %max3A_156 = arith.maximumf %add3A_153, %max3A_155 : vector<384x300xf32>
    %convert_element_type3A_157 = arith.truncf %max3A_156 : vector<384x300xf32> to vector<384x300xbf16>
    %convert_element_type3A_158 = arith.extf %convert_element_type3A_157 : vector<384x300xbf16> to vector<384x300xf32>
    %sub3A_159 = arith.subf %max3A_156, %convert_element_type3A_158 : vector<384x300xf32>
    %convert_element_type3A_160 = arith.truncf %sub3A_159 : vector<384x300xf32> to vector<384x300xbf16>
    %convert_element_type3A_161 = arith.extf %convert_element_type3A_160 : vector<384x300xbf16> to vector<384x300xf32>
    %sub3A_162 = arith.subf %sub3A_159, %convert_element_type3A_161 : vector<384x300xf32>
    %convert_element_type3A_163 = arith.truncf %sub3A_162 : vector<384x300xf32> to vector<384x300xbf16>
    %dot_general3A_164 = arith.constant dense<0.000000e+00> : vector<384x300xf32>
    %dot_general3A_165 = tpu.matmul %convert_element_type3A_110, %convert_element_type3A_157, %dot_general3A_164 {dimension_numbers = #tpu.dot_dimension_numbers<[1], [0], [0], [1], [0, 0, 1, 1], [], []>, transpose_lhs_hint = false} : vector<384x384xbf16>, vector<384x300xbf16>, vector<384x300xf32> -> vector<384x300xf32>
    %dot_general3A_166 = arith.constant dense<0.000000e+00> : vector<384x300xf32>
    %dot_general3A_167 = tpu.matmul %convert_element_type3A_110, %convert_element_type3A_160, %dot_general3A_166 {dimension_numbers = #tpu.dot_dimension_numbers<[1], [0], [0], [1], [0, 0, 1, 1], [], []>, transpose_lhs_hint = false} : vector<384x384xbf16>, vector<384x300xbf16>, vector<384x300xf32> -> vector<384x300xf32>
    %add3A_168 = arith.addf %dot_general3A_165, %dot_general3A_167 : vector<384x300xf32>
    %dot_general3A_169 = arith.constant dense<0.000000e+00> : vector<384x300xf32>
    %dot_general3A_170 = tpu.matmul %convert_element_type3A_110, %convert_element_type3A_163, %dot_general3A_169 {dimension_numbers = #tpu.dot_dimension_numbers<[1], [0], [0], [1], [0, 0, 1, 1], [], []>, transpose_lhs_hint = false} : vector<384x384xbf16>, vector<384x300xbf16>, vector<384x300xf32> -> vector<384x300xf32>
    %add3A_171 = arith.addf %add3A_168, %dot_general3A_170 : vector<384x300xf32>
    %dot_general3A_172 = arith.constant dense<0.000000e+00> : vector<384x300xf32>
    %dot_general3A_173 = tpu.matmul %add3A_171, %get3A_88, %dot_general3A_172 {dimension_numbers = #tpu.dot_dimension_numbers<[1], [0], [0], [1], [0, 0, 1, 1], [], []>, transpose_lhs_hint = false} : vector<384x300xf32>, vector<300x300xf32>, vector<384x300xf32> -> vector<384x300xf32>
    %add3A_174 = arith.addf %max3A_107, %dot_general3A_173 : vector<384x300xf32>
    %add3A_175 = vector.broadcast %get3A_91 : vector<1x300xf32> to vector<384x300xf32>
    %add3A_176 = arith.addf %add3A_174, %add3A_175 : vector<384x300xf32>
    %max3A_177 = arith.constant 0.000000e+00 : f32
    %max3A_178 = vector.broadcast %max3A_177 : f32 to vector<384x300xf32>
    %max3A_179 = arith.maximumf %add3A_176, %max3A_178 : vector<384x300xf32>
    %reshape3A_180 = vector.shape_cast %max3A_179 : vector<384x300xf32> to vector<32x12x300xf32>
    %convert_element_type3A_181 = arith.truncf %reshape3A_180 : vector<32x12x300xf32> to vector<32x12x300xbf16>
    %convert_element_type3A_182 = arith.extf %convert_element_type3A_181 : vector<32x12x300xbf16> to vector<32x12x300xf32>
    %mul3A_183 = vector.broadcast %convert_element_type3A_96 : vector<1x1x300xf32> to vector<32x12x300xf32>
    %mul3A_184 = arith.mulf %convert_element_type3A_182, %mul3A_183 : vector<32x12x300xf32>
    %reduce_sum3A = arith.constant dense<0.000000e+00> : vector<32x12xf32>
    %reduce_sum3A_185 = vector.multi_reduction <add>, %mul3A_184, %reduce_sum3A [2] : vector<32x12x300xf32> to vector<32x12xf32>
    %reduce_max3A = arith.constant dense<0xFF800000> : vector<32xf32>
    %reduce_max3A_186 = vector.multi_reduction <maximumf>, %reduce_sum3A_185, %reduce_max3A [1] : vector<32x12xf32> to vector<32xf32>
    %broadcast_in_dim3A = vector.shape_cast %reduce_max3A_186 : vector<32xf32> to vector<32x1xf32>
    %sub3A_187 = vector.broadcast %broadcast_in_dim3A : vector<32x1xf32> to vector<32x12xf32>
    %sub3A_188 = arith.subf %reduce_sum3A_185, %sub3A_187 : vector<32x12xf32>
    %exp3A = math.exp %sub3A_188 : vector<32x12xf32>
    %reduce_sum3A_189 = arith.constant dense<0.000000e+00> : vector<32xf32>
    %reduce_sum3A_190 = vector.multi_reduction <add>, %exp3A, %reduce_sum3A_189 [1] : vector<32x12xf32> to vector<32xf32>
    %broadcast_in_dim3A_191 = vector.shape_cast %reduce_sum3A_190 : vector<32xf32> to vector<32x1xf32>
    %div3A_192 = vector.broadcast %broadcast_in_dim3A_191 : vector<32x1xf32> to vector<32x12xf32>
    %div3A_193 = arith.divf %exp3A, %div3A_192 : vector<32x12xf32>
    %broadcast_in_dim3A_194 = vector.shape_cast %div3A_193 : vector<32x12xf32> to vector<32x12x1xf32>
    %mul3A_195 = vector.broadcast %broadcast_in_dim3A_194 : vector<32x12x1xf32> to vector<32x12x300xf32>
    %mul3A_196 = arith.mulf %mul3A_195, %reshape3A_180 : vector<32x12x300xf32>
    %reduce_sum3A_197 = arith.constant dense<0.000000e+00> : vector<32x300xf32>
    %reduce_sum3A_198 = vector.multi_reduction <add>, %mul3A_196, %reduce_sum3A_197 [1] : vector<32x12x300xf32> to vector<32x300xf32>
    %swap3A = arith.constant 0 : index
    %swap3A_199 = arith.constant 0 : index
    %swap3A_200 = vector.load %arg8[%swap3A, %swap3A_199] : memref<128x300xf32, #tpu.memory_space<vmem>>, vector<32x300xf32>
    tpu.vector_store %arg8[%swap3A, %swap3A_199], %reduce_sum3A_198 {strides = array<i32>} : memref<128x300xf32, #tpu.memory_space<vmem>>, vector<32x300xf32>,
    %get3A_201 = arith.constant 384 : index
    %get3A_202 = arith.constant 0 : index
    %get3A_203 = vector.load %arg1[%get3A_201, %get3A_202] : memref<1536x64xf32, #tpu.memory_space<vmem>>, vector<384x64xf32>
    %get3A_204 = arith.constant 384 : index
    %get3A_205 = arith.constant 0 : index
    %get3A_206 = vector.load %arg2[%get3A_204, %get3A_205] : memref<1536x12xf32, #tpu.memory_space<vmem>>, vector<384x12xf32>
    %dot_general3A_207 = arith.constant dense<0.000000e+00> : vector<384x300xf32>
    %dot_general3A_208 = tpu.matmul %get3A_203, %get3A_82, %dot_general3A_207 {dimension_numbers = #tpu.dot_dimension_numbers<[1], [0], [0], [1], [0, 0, 1, 1], [], []>, transpose_lhs_hint = false} : vector<384x64xf32>, vector<64x300xf32>, vector<384x300xf32> -> vector<384x300xf32>
    %add3A_209 = vector.broadcast %get3A_85 : vector<1x300xf32> to vector<384x300xf32>
    %add3A_210 = arith.addf %dot_general3A_208, %add3A_209 : vector<384x300xf32>
    %max3A_211 = arith.constant 0.000000e+00 : f32
    %max3A_212 = vector.broadcast %max3A_211 : f32 to vector<384x300xf32>
    %max3A_213 = arith.maximumf %add3A_210, %max3A_212 : vector<384x300xf32>
    %dot_general3A_214 = arith.constant dense<0.000000e+00> : vector<384x384xf32>
    %dot_general3A_215 = tpu.matmul %get3A_206, %convert_element_type3A_16, %dot_general3A_214 {dimension_numbers = #tpu.dot_dimension_numbers<[1], [0], [0], [1], [0, 0, 1, 1], [], []>, transpose_lhs_hint = false} : vector<384x12xf32>, vector<12x384xf32>, vector<384x384xf32> -> vector<384x384xf32>
    %mul3A_216 = arith.mulf %dot_general3A_215, %convert_element_type3A_80 : vector<384x384xf32>
    %convert_element_type3A_217 = arith.truncf %mul3A_216 : vector<384x384xf32> to vector<384x384xbf16>
    %convert_element_type3A_218 = arith.truncf %max3A_213 : vector<384x300xf32> to vector<384x300xbf16>
    %convert_element_type3A_219 = arith.extf %convert_element_type3A_218 : vector<384x300xbf16> to vector<384x300xf32>
    %sub3A_220 = arith.subf %max3A_213, %convert_element_type3A_219 : vector<384x300xf32>
    %convert_element_type3A_221 = arith.truncf %sub3A_220 : vector<384x300xf32> to vector<384x300xbf16>
    %convert_element_type3A_222 = arith.extf %convert_element_type3A_221 : vector<384x300xbf16> to vector<384x300xf32>
    %sub3A_223 = arith.subf %sub3A_220, %convert_element_type3A_222 : vector<384x300xf32>
    %convert_element_type3A_224 = arith.truncf %sub3A_223 : vector<384x300xf32> to vector<384x300xbf16>
    %dot_general3A_225 = arith.constant dense<0.000000e+00> : vector<384x300xf32>
    %dot_general3A_226 = tpu.matmul %convert_element_type3A_217, %convert_element_type3A_218, %dot_general3A_225 {dimension_numbers = #tpu.dot_dimension_numbers<[1], [0], [0], [1], [0, 0, 1, 1], [], []>, transpose_lhs_hint = false} : vector<384x384xbf16>, vector<384x300xbf16>, vector<384x300xf32> -> vector<384x300xf32>
    %dot_general3A_227 = arith.constant dense<0.000000e+00> : vector<384x300xf32>
    %dot_general3A_228 = tpu.matmul %convert_element_type3A_217, %convert_element_type3A_221, %dot_general3A_227 {dimension_numbers = #tpu.dot_dimension_numbers<[1], [0], [0], [1], [0, 0, 1, 1], [], []>, transpose_lhs_hint = false} : vector<384x384xbf16>, vector<384x300xbf16>, vector<384x300xf32> -> vector<384x300xf32>
    %add3A_229 = arith.addf %dot_general3A_226, %dot_general3A_228 : vector<384x300xf32>
    %dot_general3A_230 = arith.constant dense<0.000000e+00> : vector<384x300xf32>
    %dot_general3A_231 = tpu.matmul %convert_element_type3A_217, %convert_element_type3A_224, %dot_general3A_230 {dimension_numbers = #tpu.dot_dimension_numbers<[1], [0], [0], [1], [0, 0, 1, 1], [], []>, transpose_lhs_hint = false} : vector<384x384xbf16>, vector<384x300xbf16>, vector<384x300xf32> -> vector<384x300xf32>
    %add3A_232 = arith.addf %add3A_229, %dot_general3A_231 : vector<384x300xf32>
    %dot_general3A_233 = arith.constant dense<0.000000e+00> : vector<384x300xf32>
    %dot_general3A_234 = tpu.matmul %add3A_232, %get3A_88, %dot_general3A_233 {dimension_numbers = #tpu.dot_dimension_numbers<[1], [0], [0], [1], [0, 0, 1, 1], [], []>, transpose_lhs_hint = false} : vector<384x300xf32>, vector<300x300xf32>, vector<384x300xf32> -> vector<384x300xf32>
    %add3A_235 = arith.addf %max3A_213, %dot_general3A_234 : vector<384x300xf32>
    %add3A_236 = vector.broadcast %get3A_91 : vector<1x300xf32> to vector<384x300xf32>
    %add3A_237 = arith.addf %add3A_235, %add3A_236 : vector<384x300xf32>
    %max3A_238 = arith.constant 0.000000e+00 : f32
    %max3A_239 = vector.broadcast %max3A_238 : f32 to vector<384x300xf32>
    %max3A_240 = arith.maximumf %add3A_237, %max3A_239 : vector<384x300xf32>
    %convert_element_type3A_241 = arith.truncf %max3A_240 : vector<384x300xf32> to vector<384x300xbf16>
    %convert_element_type3A_242 = arith.extf %convert_element_type3A_241 : vector<384x300xbf16> to vector<384x300xf32>
    %sub3A_243 = arith.subf %max3A_240, %convert_element_type3A_242 : vector<384x300xf32>
    %convert_element_type3A_244 = arith.truncf %sub3A_243 : vector<384x300xf32> to vector<384x300xbf16>
    %convert_element_type3A_245 = arith.extf %convert_element_type3A_244 : vector<384x300xbf16> to vector<384x300xf32>
    %sub3A_246 = arith.subf %sub3A_243, %convert_element_type3A_245 : vector<384x300xf32>
    %convert_element_type3A_247 = arith.truncf %sub3A_246 : vector<384x300xf32> to vector<384x300xbf16>
    %dot_general3A_248 = arith.constant dense<0.000000e+00> : vector<384x300xf32>
    %dot_general3A_249 = tpu.matmul %convert_element_type3A_217, %convert_element_type3A_241, %dot_general3A_248 {dimension_numbers = #tpu.dot_dimension_numbers<[1], [0], [0], [1], [0, 0, 1, 1], [], []>, transpose_lhs_hint = false} : vector<384x384xbf16>, vector<384x300xbf16>, vector<384x300xf32> -> vector<384x300xf32>
    %dot_general3A_250 = arith.constant dense<0.000000e+00> : vector<384x300xf32>
    %dot_general3A_251 = tpu.matmul %convert_element_type3A_217, %convert_element_type3A_244, %dot_general3A_250 {dimension_numbers = #tpu.dot_dimension_numbers<[1], [0], [0], [1], [0, 0, 1, 1], [], []>, transpose_lhs_hint = false} : vector<384x384xbf16>, vector<384x300xbf16>, vector<384x300xf32> -> vector<384x300xf32>
    %add3A_252 = arith.addf %dot_general3A_249, %dot_general3A_251 : vector<384x300xf32>
    %dot_general3A_253 = arith.constant dense<0.000000e+00> : vector<384x300xf32>
    %dot_general3A_254 = tpu.matmul %convert_element_type3A_217, %convert_element_type3A_247, %dot_general3A_253 {dimension_numbers = #tpu.dot_dimension_numbers<[1], [0], [0], [1], [0, 0, 1, 1], [], []>, transpose_lhs_hint = false} : vector<384x384xbf16>, vector<384x300xbf16>, vector<384x300xf32> -> vector<384x300xf32>
    %add3A_255 = arith.addf %add3A_252, %dot_general3A_254 : vector<384x300xf32>
    %dot_general3A_256 = arith.constant dense<0.000000e+00> : vector<384x300xf32>
    %dot_general3A_257 = tpu.matmul %add3A_255, %get3A_88, %dot_general3A_256 {dimension_numbers = #tpu.dot_dimension_numbers<[1], [0], [0], [1], [0, 0, 1, 1], [], []>, transpose_lhs_hint = false} : vector<384x300xf32>, vector<300x300xf32>, vector<384x300xf32> -> vector<384x300xf32>
    %add3A_258 = arith.addf %max3A_213, %dot_general3A_257 : vector<384x300xf32>
    %add3A_259 = vector.broadcast %get3A_91 : vector<1x300xf32> to vector<384x300xf32>
    %add3A_260 = arith.addf %add3A_258, %add3A_259 : vector<384x300xf32>
    %max3A_261 = arith.constant 0.000000e+00 : f32
    %max3A_262 = vector.broadcast %max3A_261 : f32 to vector<384x300xf32>
    %max3A_263 = arith.maximumf %add3A_260, %max3A_262 : vector<384x300xf32>
    %convert_element_type3A_264 = arith.truncf %max3A_263 : vector<384x300xf32> to vector<384x300xbf16>
    %convert_element_type3A_265 = arith.extf %convert_element_type3A_264 : vector<384x300xbf16> to vector<384x300xf32>
    %sub3A_266 = arith.subf %max3A_263, %convert_element_type3A_265 : vector<384x300xf32>
    %convert_element_type3A_267 = arith.truncf %sub3A_266 : vector<384x300xf32> to vector<384x300xbf16>
    %convert_element_type3A_268 = arith.extf %convert_element_type3A_267 : vector<384x300xbf16> to vector<384x300xf32>
    %sub3A_269 = arith.subf %sub3A_266, %convert_element_type3A_268 : vector<384x300xf32>
    %convert_element_type3A_270 = arith.truncf %sub3A_269 : vector<384x300xf32> to vector<384x300xbf16>
    %dot_general3A_271 = arith.constant dense<0.000000e+00> : vector<384x300xf32>
    %dot_general3A_272 = tpu.matmul %convert_element_type3A_217, %convert_element_type3A_264, %dot_general3A_271 {dimension_numbers = #tpu.dot_dimension_numbers<[1], [0], [0], [1], [0, 0, 1, 1], [], []>, transpose_lhs_hint = false} : vector<384x384xbf16>, vector<384x300xbf16>, vector<384x300xf32> -> vector<384x300xf32>
    %dot_general3A_273 = arith.constant dense<0.000000e+00> : vector<384x300xf32>
    %dot_general3A_274 = tpu.matmul %convert_element_type3A_217, %convert_element_type3A_267, %dot_general3A_273 {dimension_numbers = #tpu.dot_dimension_numbers<[1], [0], [0], [1], [0, 0, 1, 1], [], []>, transpose_lhs_hint = false} : vector<384x384xbf16>, vector<384x300xbf16>, vector<384x300xf32> -> vector<384x300xf32>
    %add3A_275 = arith.addf %dot_general3A_272, %dot_general3A_274 : vector<384x300xf32>
    %dot_general3A_276 = arith.constant dense<0.000000e+00> : vector<384x300xf32>
    %dot_general3A_277 = tpu.matmul %convert_element_type3A_217, %convert_element_type3A_270, %dot_general3A_276 {dimension_numbers = #tpu.dot_dimension_numbers<[1], [0], [0], [1], [0, 0, 1, 1], [], []>, transpose_lhs_hint = false} : vector<384x384xbf16>, vector<384x300xbf16>, vector<384x300xf32> -> vector<384x300xf32>
    %add3A_278 = arith.addf %add3A_275, %dot_general3A_277 : vector<384x300xf32>
    %dot_general3A_279 = arith.constant dense<0.000000e+00> : vector<384x300xf32>
    %dot_general3A_280 = tpu.matmul %add3A_278, %get3A_88, %dot_general3A_279 {dimension_numbers = #tpu.dot_dimension_numbers<[1], [0], [0], [1], [0, 0, 1, 1], [], []>, transpose_lhs_hint = false} : vector<384x300xf32>, vector<300x300xf32>, vector<384x300xf32> -> vector<384x300xf32>
    %add3A_281 = arith.addf %max3A_213, %dot_general3A_280 : vector<384x300xf32>
    %add3A_282 = vector.broadcast %get3A_91 : vector<1x300xf32> to vector<384x300xf32>
    %add3A_283 = arith.addf %add3A_281, %add3A_282 : vector<384x300xf32>
    %max3A_284 = arith.constant 0.000000e+00 : f32
    %max3A_285 = vector.broadcast %max3A_284 : f32 to vector<384x300xf32>
    %max3A_286 = arith.maximumf %add3A_283, %max3A_285 : vector<384x300xf32>
    %reshape3A_287 = vector.shape_cast %max3A_286 : vector<384x300xf32> to vector<32x12x300xf32>
    %convert_element_type3A_288 = arith.truncf %reshape3A_287 : vector<32x12x300xf32> to vector<32x12x300xbf16>
    %convert_element_type3A_289 = arith.extf %convert_element_type3A_288 : vector<32x12x300xbf16> to vector<32x12x300xf32>
    %mul3A_290 = vector.broadcast %convert_element_type3A_96 : vector<1x1x300xf32> to vector<32x12x300xf32>
    %mul3A_291 = arith.mulf %convert_element_type3A_289, %mul3A_290 : vector<32x12x300xf32>
    %reduce_sum3A_292 = arith.constant dense<0.000000e+00> : vector<32x12xf32>
    %reduce_sum3A_293 = vector.multi_reduction <add>, %mul3A_291, %reduce_sum3A_292 [2] : vector<32x12x300xf32> to vector<32x12xf32>
    %reduce_max3A_294 = arith.constant dense<0xFF800000> : vector<32xf32>
    %reduce_max3A_295 = vector.multi_reduction <maximumf>, %reduce_sum3A_293, %reduce_max3A_294 [1] : vector<32x12xf32> to vector<32xf32>
    %broadcast_in_dim3A_296 = vector.shape_cast %reduce_max3A_295 : vector<32xf32> to vector<32x1xf32>
    %sub3A_297 = vector.broadcast %broadcast_in_dim3A_296 : vector<32x1xf32> to vector<32x12xf32>
    %sub3A_298 = arith.subf %reduce_sum3A_293, %sub3A_297 : vector<32x12xf32>
    %exp3A_299 = math.exp %sub3A_298 : vector<32x12xf32>
    %reduce_sum3A_300 = arith.constant dense<0.000000e+00> : vector<32xf32>
    %reduce_sum3A_301 = vector.multi_reduction <add>, %exp3A_299, %reduce_sum3A_300 [1] : vector<32x12xf32> to vector<32xf32>
    %broadcast_in_dim3A_302 = vector.shape_cast %reduce_sum3A_301 : vector<32xf32> to vector<32x1xf32>
    %div3A_303 = vector.broadcast %broadcast_in_dim3A_302 : vector<32x1xf32> to vector<32x12xf32>
    %div3A_304 = arith.divf %exp3A_299, %div3A_303 : vector<32x12xf32>
    %broadcast_in_dim3A_305 = vector.shape_cast %div3A_304 : vector<32x12xf32> to vector<32x12x1xf32>
    %mul3A_306 = vector.broadcast %broadcast_in_dim3A_305 : vector<32x12x1xf32> to vector<32x12x300xf32>
    %mul3A_307 = arith.mulf %mul3A_306, %reshape3A_287 : vector<32x12x300xf32>
    %reduce_sum3A_308 = arith.constant dense<0.000000e+00> : vector<32x300xf32>
    %reduce_sum3A_309 = vector.multi_reduction <add>, %mul3A_307, %reduce_sum3A_308 [1] : vector<32x12x300xf32> to vector<32x300xf32>
    %swap3A_310 = arith.constant 32 : index
    %swap3A_311 = arith.constant 0 : index
    %swap3A_312 = vector.load %arg8[%swap3A_310, %swap3A_311] : memref<128x300xf32, #tpu.memory_space<vmem>>, vector<32x300xf32>
    tpu.vector_store %arg8[%swap3A_310, %swap3A_311], %reduce_sum3A_309 {strides = array<i32>} : memref<128x300xf32, #tpu.memory_space<vmem>>, vector<32x300xf32>,
    %get3A_313 = arith.constant 768 : index
    %get3A_314 = arith.constant 0 : index
    %get3A_315 = vector.load %arg1[%get3A_313, %get3A_314] : memref<1536x64xf32, #tpu.memory_space<vmem>>, vector<384x64xf32>
    %get3A_316 = arith.constant 768 : index
    %get3A_317 = arith.constant 0 : index
    %get3A_318 = vector.load %arg2[%get3A_316, %get3A_317] : memref<1536x12xf32, #tpu.memory_space<vmem>>, vector<384x12xf32>
    %dot_general3A_319 = arith.constant dense<0.000000e+00> : vector<384x300xf32>
    %dot_general3A_320 = tpu.matmul %get3A_315, %get3A_82, %dot_general3A_319 {dimension_numbers = #tpu.dot_dimension_numbers<[1], [0], [0], [1], [0, 0, 1, 1], [], []>, transpose_lhs_hint = false} : vector<384x64xf32>, vector<64x300xf32>, vector<384x300xf32> -> vector<384x300xf32>
    %add3A_321 = vector.broadcast %get3A_85 : vector<1x300xf32> to vector<384x300xf32>
    %add3A_322 = arith.addf %dot_general3A_320, %add3A_321 : vector<384x300xf32>
    %max3A_323 = arith.constant 0.000000e+00 : f32
    %max3A_324 = vector.broadcast %max3A_323 : f32 to vector<384x300xf32>
    %max3A_325 = arith.maximumf %add3A_322, %max3A_324 : vector<384x300xf32>
    %dot_general3A_326 = arith.constant dense<0.000000e+00> : vector<384x384xf32>
    %dot_general3A_327 = tpu.matmul %get3A_318, %convert_element_type3A_16, %dot_general3A_326 {dimension_numbers = #tpu.dot_dimension_numbers<[1], [0], [0], [1], [0, 0, 1, 1], [], []>, transpose_lhs_hint = false} : vector<384x12xf32>, vector<12x384xf32>, vector<384x384xf32> -> vector<384x384xf32>
    %mul3A_328 = arith.mulf %dot_general3A_327, %convert_element_type3A_80 : vector<384x384xf32>
    %convert_element_type3A_329 = arith.truncf %mul3A_328 : vector<384x384xf32> to vector<384x384xbf16>
    %convert_element_type3A_330 = arith.truncf %max3A_325 : vector<384x300xf32> to vector<384x300xbf16>
    %convert_element_type3A_331 = arith.extf %convert_element_type3A_330 : vector<384x300xbf16> to vector<384x300xf32>
    %sub3A_332 = arith.subf %max3A_325, %convert_element_type3A_331 : vector<384x300xf32>
    %convert_element_type3A_333 = arith.truncf %sub3A_332 : vector<384x300xf32> to vector<384x300xbf16>
    %convert_element_type3A_334 = arith.extf %convert_element_type3A_333 : vector<384x300xbf16> to vector<384x300xf32>
    %sub3A_335 = arith.subf %sub3A_332, %convert_element_type3A_334 : vector<384x300xf32>
    %convert_element_type3A_336 = arith.truncf %sub3A_335 : vector<384x300xf32> to vector<384x300xbf16>
    %dot_general3A_337 = arith.constant dense<0.000000e+00> : vector<384x300xf32>
    %dot_general3A_338 = tpu.matmul %convert_element_type3A_329, %convert_element_type3A_330, %dot_general3A_337 {dimension_numbers = #tpu.dot_dimension_numbers<[1], [0], [0], [1], [0, 0, 1, 1], [], []>, transpose_lhs_hint = false} : vector<384x384xbf16>, vector<384x300xbf16>, vector<384x300xf32> -> vector<384x300xf32>
    %dot_general3A_339 = arith.constant dense<0.000000e+00> : vector<384x300xf32>
    %dot_general3A_340 = tpu.matmul %convert_element_type3A_329, %convert_element_type3A_333, %dot_general3A_339 {dimension_numbers = #tpu.dot_dimension_numbers<[1], [0], [0], [1], [0, 0, 1, 1], [], []>, transpose_lhs_hint = false} : vector<384x384xbf16>, vector<384x300xbf16>, vector<384x300xf32> -> vector<384x300xf32>
    %add3A_341 = arith.addf %dot_general3A_338, %dot_general3A_340 : vector<384x300xf32>
    %dot_general3A_342 = arith.constant dense<0.000000e+00> : vector<384x300xf32>
    %dot_general3A_343 = tpu.matmul %convert_element_type3A_329, %convert_element_type3A_336, %dot_general3A_342 {dimension_numbers = #tpu.dot_dimension_numbers<[1], [0], [0], [1], [0, 0, 1, 1], [], []>, transpose_lhs_hint = false} : vector<384x384xbf16>, vector<384x300xbf16>, vector<384x300xf32> -> vector<384x300xf32>
    %add3A_344 = arith.addf %add3A_341, %dot_general3A_343 : vector<384x300xf32>
    %dot_general3A_345 = arith.constant dense<0.000000e+00> : vector<384x300xf32>
    %dot_general3A_346 = tpu.matmul %add3A_344, %get3A_88, %dot_general3A_345 {dimension_numbers = #tpu.dot_dimension_numbers<[1], [0], [0], [1], [0, 0, 1, 1], [], []>, transpose_lhs_hint = false} : vector<384x300xf32>, vector<300x300xf32>, vector<384x300xf32> -> vector<384x300xf32>
    %add3A_347 = arith.addf %max3A_325, %dot_general3A_346 : vector<384x300xf32>
    %add3A_348 = vector.broadcast %get3A_91 : vector<1x300xf32> to vector<384x300xf32>
    %add3A_349 = arith.addf %add3A_347, %add3A_348 : vector<384x300xf32>
    %max3A_350 = arith.constant 0.000000e+00 : f32
    %max3A_351 = vector.broadcast %max3A_350 : f32 to vector<384x300xf32>
    %max3A_352 = arith.maximumf %add3A_349, %max3A_351 : vector<384x300xf32>
    %convert_element_type3A_353 = arith.truncf %max3A_352 : vector<384x300xf32> to vector<384x300xbf16>
    %convert_element_type3A_354 = arith.extf %convert_element_type3A_353 : vector<384x300xbf16> to vector<384x300xf32>
    %sub3A_355 = arith.subf %max3A_352, %convert_element_type3A_354 : vector<384x300xf32>
    %convert_element_type3A_356 = arith.truncf %sub3A_355 : vector<384x300xf32> to vector<384x300xbf16>
    %convert_element_type3A_357 = arith.extf %convert_element_type3A_356 : vector<384x300xbf16> to vector<384x300xf32>
    %sub3A_358 = arith.subf %sub3A_355, %convert_element_type3A_357 : vector<384x300xf32>
    %convert_element_type3A_359 = arith.truncf %sub3A_358 : vector<384x300xf32> to vector<384x300xbf16>
    %dot_general3A_360 = arith.constant dense<0.000000e+00> : vector<384x300xf32>
    %dot_general3A_361 = tpu.matmul %convert_element_type3A_329, %convert_element_type3A_353, %dot_general3A_360 {dimension_numbers = #tpu.dot_dimension_numbers<[1], [0], [0], [1], [0, 0, 1, 1], [], []>, transpose_lhs_hint = false} : vector<384x384xbf16>, vector<384x300xbf16>, vector<384x300xf32> -> vector<384x300xf32>
    %dot_general3A_362 = arith.constant dense<0.000000e+00> : vector<384x300xf32>
    %dot_general3A_363 = tpu.matmul %convert_element_type3A_329, %convert_element_type3A_356, %dot_general3A_362 {dimension_numbers = #tpu.dot_dimension_numbers<[1], [0], [0], [1], [0, 0, 1, 1], [], []>, transpose_lhs_hint = false} : vector<384x384xbf16>, vector<384x300xbf16>, vector<384x300xf32> -> vector<384x300xf32>
    %add3A_364 = arith.addf %dot_general3A_361, %dot_general3A_363 : vector<384x300xf32>
    %dot_general3A_365 = arith.constant dense<0.000000e+00> : vector<384x300xf32>
    %dot_general3A_366 = tpu.matmul %convert_element_type3A_329, %convert_element_type3A_359, %dot_general3A_365 {dimension_numbers = #tpu.dot_dimension_numbers<[1], [0], [0], [1], [0, 0, 1, 1], [], []>, transpose_lhs_hint = false} : vector<384x384xbf16>, vector<384x300xbf16>, vector<384x300xf32> -> vector<384x300xf32>
    %add3A_367 = arith.addf %add3A_364, %dot_general3A_366 : vector<384x300xf32>
    %dot_general3A_368 = arith.constant dense<0.000000e+00> : vector<384x300xf32>
    %dot_general3A_369 = tpu.matmul %add3A_367, %get3A_88, %dot_general3A_368 {dimension_numbers = #tpu.dot_dimension_numbers<[1], [0], [0], [1], [0, 0, 1, 1], [], []>, transpose_lhs_hint = false} : vector<384x300xf32>, vector<300x300xf32>, vector<384x300xf32> -> vector<384x300xf32>
    %add3A_370 = arith.addf %max3A_325, %dot_general3A_369 : vector<384x300xf32>
    %add3A_371 = vector.broadcast %get3A_91 : vector<1x300xf32> to vector<384x300xf32>
    %add3A_372 = arith.addf %add3A_370, %add3A_371 : vector<384x300xf32>
    %max3A_373 = arith.constant 0.000000e+00 : f32
    %max3A_374 = vector.broadcast %max3A_373 : f32 to vector<384x300xf32>
    %max3A_375 = arith.maximumf %add3A_372, %max3A_374 : vector<384x300xf32>
    %convert_element_type3A_376 = arith.truncf %max3A_375 : vector<384x300xf32> to vector<384x300xbf16>
    %convert_element_type3A_377 = arith.extf %convert_element_type3A_376 : vector<384x300xbf16> to vector<384x300xf32>
    %sub3A_378 = arith.subf %max3A_375, %convert_element_type3A_377 : vector<384x300xf32>
    %convert_element_type3A_379 = arith.truncf %sub3A_378 : vector<384x300xf32> to vector<384x300xbf16>
    %convert_element_type3A_380 = arith.extf %convert_element_type3A_379 : vector<384x300xbf16> to vector<384x300xf32>
    %sub3A_381 = arith.subf %sub3A_378, %convert_element_type3A_380 : vector<384x300xf32>
    %convert_element_type3A_382 = arith.truncf %sub3A_381 : vector<384x300xf32> to vector<384x300xbf16>
    %dot_general3A_383 = arith.constant dense<0.000000e+00> : vector<384x300xf32>
    %dot_general3A_384 = tpu.matmul %convert_element_type3A_329, %convert_element_type3A_376, %dot_general3A_383 {dimension_numbers = #tpu.dot_dimension_numbers<[1], [0], [0], [1], [0, 0, 1, 1], [], []>, transpose_lhs_hint = false} : vector<384x384xbf16>, vector<384x300xbf16>, vector<384x300xf32> -> vector<384x300xf32>
    %dot_general3A_385 = arith.constant dense<0.000000e+00> : vector<384x300xf32>
    %dot_general3A_386 = tpu.matmul %convert_element_type3A_329, %convert_element_type3A_379, %dot_general3A_385 {dimension_numbers = #tpu.dot_dimension_numbers<[1], [0], [0], [1], [0, 0, 1, 1], [], []>, transpose_lhs_hint = false} : vector<384x384xbf16>, vector<384x300xbf16>, vector<384x300xf32> -> vector<384x300xf32>
    %add3A_387 = arith.addf %dot_general3A_384, %dot_general3A_386 : vector<384x300xf32>
    %dot_general3A_388 = arith.constant dense<0.000000e+00> : vector<384x300xf32>
    %dot_general3A_389 = tpu.matmul %convert_element_type3A_329, %convert_element_type3A_382, %dot_general3A_388 {dimension_numbers = #tpu.dot_dimension_numbers<[1], [0], [0], [1], [0, 0, 1, 1], [], []>, transpose_lhs_hint = false} : vector<384x384xbf16>, vector<384x300xbf16>, vector<384x300xf32> -> vector<384x300xf32>
    %add3A_390 = arith.addf %add3A_387, %dot_general3A_389 : vector<384x300xf32>
    %dot_general3A_391 = arith.constant dense<0.000000e+00> : vector<384x300xf32>
    %dot_general3A_392 = tpu.matmul %add3A_390, %get3A_88, %dot_general3A_391 {dimension_numbers = #tpu.dot_dimension_numbers<[1], [0], [0], [1], [0, 0, 1, 1], [], []>, transpose_lhs_hint = false} : vector<384x300xf32>, vector<300x300xf32>, vector<384x300xf32> -> vector<384x300xf32>
    %add3A_393 = arith.addf %max3A_325, %dot_general3A_392 : vector<384x300xf32>
    %add3A_394 = vector.broadcast %get3A_91 : vector<1x300xf32> to vector<384x300xf32>
    %add3A_395 = arith.addf %add3A_393, %add3A_394 : vector<384x300xf32>
    %max3A_396 = arith.constant 0.000000e+00 : f32
    %max3A_397 = vector.broadcast %max3A_396 : f32 to vector<384x300xf32>
    %max3A_398 = arith.maximumf %add3A_395, %max3A_397 : vector<384x300xf32>
    %reshape3A_399 = vector.shape_cast %max3A_398 : vector<384x300xf32> to vector<32x12x300xf32>
    %convert_element_type3A_400 = arith.truncf %reshape3A_399 : vector<32x12x300xf32> to vector<32x12x300xbf16>
    %convert_element_type3A_401 = arith.extf %convert_element_type3A_400 : vector<32x12x300xbf16> to vector<32x12x300xf32>
    %mul3A_402 = vector.broadcast %convert_element_type3A_96 : vector<1x1x300xf32> to vector<32x12x300xf32>
    %mul3A_403 = arith.mulf %convert_element_type3A_401, %mul3A_402 : vector<32x12x300xf32>
    %reduce_sum3A_404 = arith.constant dense<0.000000e+00> : vector<32x12xf32>
    %reduce_sum3A_405 = vector.multi_reduction <add>, %mul3A_403, %reduce_sum3A_404 [2] : vector<32x12x300xf32> to vector<32x12xf32>
    %reduce_max3A_406 = arith.constant dense<0xFF800000> : vector<32xf32>
    %reduce_max3A_407 = vector.multi_reduction <maximumf>, %reduce_sum3A_405, %reduce_max3A_406 [1] : vector<32x12xf32> to vector<32xf32>
    %broadcast_in_dim3A_408 = vector.shape_cast %reduce_max3A_407 : vector<32xf32> to vector<32x1xf32>
    %sub3A_409 = vector.broadcast %broadcast_in_dim3A_408 : vector<32x1xf32> to vector<32x12xf32>
    %sub3A_410 = arith.subf %reduce_sum3A_405, %sub3A_409 : vector<32x12xf32>
    %exp3A_411 = math.exp %sub3A_410 : vector<32x12xf32>
    %reduce_sum3A_412 = arith.constant dense<0.000000e+00> : vector<32xf32>
    %reduce_sum3A_413 = vector.multi_reduction <add>, %exp3A_411, %reduce_sum3A_412 [1] : vector<32x12xf32> to vector<32xf32>
    %broadcast_in_dim3A_414 = vector.shape_cast %reduce_sum3A_413 : vector<32xf32> to vector<32x1xf32>
    %div3A_415 = vector.broadcast %broadcast_in_dim3A_414 : vector<32x1xf32> to vector<32x12xf32>
    %div3A_416 = arith.divf %exp3A_411, %div3A_415 : vector<32x12xf32>
    %broadcast_in_dim3A_417 = vector.shape_cast %div3A_416 : vector<32x12xf32> to vector<32x12x1xf32>
    %mul3A_418 = vector.broadcast %broadcast_in_dim3A_417 : vector<32x12x1xf32> to vector<32x12x300xf32>
    %mul3A_419 = arith.mulf %mul3A_418, %reshape3A_399 : vector<32x12x300xf32>
    %reduce_sum3A_420 = arith.constant dense<0.000000e+00> : vector<32x300xf32>
    %reduce_sum3A_421 = vector.multi_reduction <add>, %mul3A_419, %reduce_sum3A_420 [1] : vector<32x12x300xf32> to vector<32x300xf32>
    %swap3A_422 = arith.constant 64 : index
    %swap3A_423 = arith.constant 0 : index
    %swap3A_424 = vector.load %arg8[%swap3A_422, %swap3A_423] : memref<128x300xf32, #tpu.memory_space<vmem>>, vector<32x300xf32>
    tpu.vector_store %arg8[%swap3A_422, %swap3A_423], %reduce_sum3A_421 {strides = array<i32>} : memref<128x300xf32, #tpu.memory_space<vmem>>, vector<32x300xf32>,
    %get3A_425 = arith.constant 1152 : index
    %get3A_426 = arith.constant 0 : index
    %get3A_427 = vector.load %arg1[%get3A_425, %get3A_426] : memref<1536x64xf32, #tpu.memory_space<vmem>>, vector<384x64xf32>
    %get3A_428 = arith.constant 1152 : index
    %get3A_429 = arith.constant 0 : index
    %get3A_430 = vector.load %arg2[%get3A_428, %get3A_429] : memref<1536x12xf32, #tpu.memory_space<vmem>>, vector<384x12xf32>
    %dot_general3A_431 = arith.constant dense<0.000000e+00> : vector<384x300xf32>
    %dot_general3A_432 = tpu.matmul %get3A_427, %get3A_82, %dot_general3A_431 {dimension_numbers = #tpu.dot_dimension_numbers<[1], [0], [0], [1], [0, 0, 1, 1], [], []>, transpose_lhs_hint = false} : vector<384x64xf32>, vector<64x300xf32>, vector<384x300xf32> -> vector<384x300xf32>
    %add3A_433 = vector.broadcast %get3A_85 : vector<1x300xf32> to vector<384x300xf32>
    %add3A_434 = arith.addf %dot_general3A_432, %add3A_433 : vector<384x300xf32>
    %max3A_435 = arith.constant 0.000000e+00 : f32
    %max3A_436 = vector.broadcast %max3A_435 : f32 to vector<384x300xf32>
    %max3A_437 = arith.maximumf %add3A_434, %max3A_436 : vector<384x300xf32>
    %dot_general3A_438 = arith.constant dense<0.000000e+00> : vector<384x384xf32>
    %dot_general3A_439 = tpu.matmul %get3A_430, %convert_element_type3A_16, %dot_general3A_438 {dimension_numbers = #tpu.dot_dimension_numbers<[1], [0], [0], [1], [0, 0, 1, 1], [], []>, transpose_lhs_hint = false} : vector<384x12xf32>, vector<12x384xf32>, vector<384x384xf32> -> vector<384x384xf32>
    %mul3A_440 = arith.mulf %dot_general3A_439, %convert_element_type3A_80 : vector<384x384xf32>
    %convert_element_type3A_441 = arith.truncf %mul3A_440 : vector<384x384xf32> to vector<384x384xbf16>
    %convert_element_type3A_442 = arith.truncf %max3A_437 : vector<384x300xf32> to vector<384x300xbf16>
    %convert_element_type3A_443 = arith.extf %convert_element_type3A_442 : vector<384x300xbf16> to vector<384x300xf32>
    %sub3A_444 = arith.subf %max3A_437, %convert_element_type3A_443 : vector<384x300xf32>
    %convert_element_type3A_445 = arith.truncf %sub3A_444 : vector<384x300xf32> to vector<384x300xbf16>
    %convert_element_type3A_446 = arith.extf %convert_element_type3A_445 : vector<384x300xbf16> to vector<384x300xf32>
    %sub3A_447 = arith.subf %sub3A_444, %convert_element_type3A_446 : vector<384x300xf32>
    %convert_element_type3A_448 = arith.truncf %sub3A_447 : vector<384x300xf32> to vector<384x300xbf16>
    %dot_general3A_449 = arith.constant dense<0.000000e+00> : vector<384x300xf32>
    %dot_general3A_450 = tpu.matmul %convert_element_type3A_441, %convert_element_type3A_442, %dot_general3A_449 {dimension_numbers = #tpu.dot_dimension_numbers<[1], [0], [0], [1], [0, 0, 1, 1], [], []>, transpose_lhs_hint = false} : vector<384x384xbf16>, vector<384x300xbf16>, vector<384x300xf32> -> vector<384x300xf32>
    %dot_general3A_451 = arith.constant dense<0.000000e+00> : vector<384x300xf32>
    %dot_general3A_452 = tpu.matmul %convert_element_type3A_441, %convert_element_type3A_445, %dot_general3A_451 {dimension_numbers = #tpu.dot_dimension_numbers<[1], [0], [0], [1], [0, 0, 1, 1], [], []>, transpose_lhs_hint = false} : vector<384x384xbf16>, vector<384x300xbf16>, vector<384x300xf32> -> vector<384x300xf32>
    %add3A_453 = arith.addf %dot_general3A_450, %dot_general3A_452 : vector<384x300xf32>
    %dot_general3A_454 = arith.constant dense<0.000000e+00> : vector<384x300xf32>
    %dot_general3A_455 = tpu.matmul %convert_element_type3A_441, %convert_element_type3A_448, %dot_general3A_454 {dimension_numbers = #tpu.dot_dimension_numbers<[1], [0], [0], [1], [0, 0, 1, 1], [], []>, transpose_lhs_hint = false} : vector<384x384xbf16>, vector<384x300xbf16>, vector<384x300xf32> -> vector<384x300xf32>
    %add3A_456 = arith.addf %add3A_453, %dot_general3A_455 : vector<384x300xf32>
    %dot_general3A_457 = arith.constant dense<0.000000e+00> : vector<384x300xf32>
    %dot_general3A_458 = tpu.matmul %add3A_456, %get3A_88, %dot_general3A_457 {dimension_numbers = #tpu.dot_dimension_numbers<[1], [0], [0], [1], [0, 0, 1, 1], [], []>, transpose_lhs_hint = false} : vector<384x300xf32>, vector<300x300xf32>, vector<384x300xf32> -> vector<384x300xf32>
    %add3A_459 = arith.addf %max3A_437, %dot_general3A_458 : vector<384x300xf32>
    %add3A_460 = vector.broadcast %get3A_91 : vector<1x300xf32> to vector<384x300xf32>
    %add3A_461 = arith.addf %add3A_459, %add3A_460 : vector<384x300xf32>
    %max3A_462 = arith.constant 0.000000e+00 : f32
    %max3A_463 = vector.broadcast %max3A_462 : f32 to vector<384x300xf32>
    %max3A_464 = arith.maximumf %add3A_461, %max3A_463 : vector<384x300xf32>
    %convert_element_type3A_465 = arith.truncf %max3A_464 : vector<384x300xf32> to vector<384x300xbf16>
    %convert_element_type3A_466 = arith.extf %convert_element_type3A_465 : vector<384x300xbf16> to vector<384x300xf32>
    %sub3A_467 = arith.subf %max3A_464, %convert_element_type3A_466 : vector<384x300xf32>
    %convert_element_type3A_468 = arith.truncf %sub3A_467 : vector<384x300xf32> to vector<384x300xbf16>
    %convert_element_type3A_469 = arith.extf %convert_element_type3A_468 : vector<384x300xbf16> to vector<384x300xf32>
    %sub3A_470 = arith.subf %sub3A_467, %convert_element_type3A_469 : vector<384x300xf32>
    %convert_element_type3A_471 = arith.truncf %sub3A_470 : vector<384x300xf32> to vector<384x300xbf16>
    %dot_general3A_472 = arith.constant dense<0.000000e+00> : vector<384x300xf32>
    %dot_general3A_473 = tpu.matmul %convert_element_type3A_441, %convert_element_type3A_465, %dot_general3A_472 {dimension_numbers = #tpu.dot_dimension_numbers<[1], [0], [0], [1], [0, 0, 1, 1], [], []>, transpose_lhs_hint = false} : vector<384x384xbf16>, vector<384x300xbf16>, vector<384x300xf32> -> vector<384x300xf32>
    %dot_general3A_474 = arith.constant dense<0.000000e+00> : vector<384x300xf32>
    %dot_general3A_475 = tpu.matmul %convert_element_type3A_441, %convert_element_type3A_468, %dot_general3A_474 {dimension_numbers = #tpu.dot_dimension_numbers<[1], [0], [0], [1], [0, 0, 1, 1], [], []>, transpose_lhs_hint = false} : vector<384x384xbf16>, vector<384x300xbf16>, vector<384x300xf32> -> vector<384x300xf32>
    %add3A_476 = arith.addf %dot_general3A_473, %dot_general3A_475 : vector<384x300xf32>
    %dot_general3A_477 = arith.constant dense<0.000000e+00> : vector<384x300xf32>
    %dot_general3A_478 = tpu.matmul %convert_element_type3A_441, %convert_element_type3A_471, %dot_general3A_477 {dimension_numbers = #tpu.dot_dimension_numbers<[1], [0], [0], [1], [0, 0, 1, 1], [], []>, transpose_lhs_hint = false} : vector<384x384xbf16>, vector<384x300xbf16>, vector<384x300xf32> -> vector<384x300xf32>
    %add3A_479 = arith.addf %add3A_476, %dot_general3A_478 : vector<384x300xf32>
    %dot_general3A_480 = arith.constant dense<0.000000e+00> : vector<384x300xf32>
    %dot_general3A_481 = tpu.matmul %add3A_479, %get3A_88, %dot_general3A_480 {dimension_numbers = #tpu.dot_dimension_numbers<[1], [0], [0], [1], [0, 0, 1, 1], [], []>, transpose_lhs_hint = false} : vector<384x300xf32>, vector<300x300xf32>, vector<384x300xf32> -> vector<384x300xf32>
    %add3A_482 = arith.addf %max3A_437, %dot_general3A_481 : vector<384x300xf32>
    %add3A_483 = vector.broadcast %get3A_91 : vector<1x300xf32> to vector<384x300xf32>
    %add3A_484 = arith.addf %add3A_482, %add3A_483 : vector<384x300xf32>
    %max3A_485 = arith.constant 0.000000e+00 : f32
    %max3A_486 = vector.broadcast %max3A_485 : f32 to vector<384x300xf32>
    %max3A_487 = arith.maximumf %add3A_484, %max3A_486 : vector<384x300xf32>
    %convert_element_type3A_488 = arith.truncf %max3A_487 : vector<384x300xf32> to vector<384x300xbf16>
    %convert_element_type3A_489 = arith.extf %convert_element_type3A_488 : vector<384x300xbf16> to vector<384x300xf32>
    %sub3A_490 = arith.subf %max3A_487, %convert_element_type3A_489 : vector<384x300xf32>
    %convert_element_type3A_491 = arith.truncf %sub3A_490 : vector<384x300xf32> to vector<384x300xbf16>
    %convert_element_type3A_492 = arith.extf %convert_element_type3A_491 : vector<384x300xbf16> to vector<384x300xf32>
    %sub3A_493 = arith.subf %sub3A_490, %convert_element_type3A_492 : vector<384x300xf32>
    %convert_element_type3A_494 = arith.truncf %sub3A_493 : vector<384x300xf32> to vector<384x300xbf16>
    %dot_general3A_495 = arith.constant dense<0.000000e+00> : vector<384x300xf32>
    %dot_general3A_496 = tpu.matmul %convert_element_type3A_441, %convert_element_type3A_488, %dot_general3A_495 {dimension_numbers = #tpu.dot_dimension_numbers<[1], [0], [0], [1], [0, 0, 1, 1], [], []>, transpose_lhs_hint = false} : vector<384x384xbf16>, vector<384x300xbf16>, vector<384x300xf32> -> vector<384x300xf32>
    %dot_general3A_497 = arith.constant dense<0.000000e+00> : vector<384x300xf32>
    %dot_general3A_498 = tpu.matmul %convert_element_type3A_441, %convert_element_type3A_491, %dot_general3A_497 {dimension_numbers = #tpu.dot_dimension_numbers<[1], [0], [0], [1], [0, 0, 1, 1], [], []>, transpose_lhs_hint = false} : vector<384x384xbf16>, vector<384x300xbf16>, vector<384x300xf32> -> vector<384x300xf32>
    %add3A_499 = arith.addf %dot_general3A_496, %dot_general3A_498 : vector<384x300xf32>
    %dot_general3A_500 = arith.constant dense<0.000000e+00> : vector<384x300xf32>
    %dot_general3A_501 = tpu.matmul %convert_element_type3A_441, %convert_element_type3A_494, %dot_general3A_500 {dimension_numbers = #tpu.dot_dimension_numbers<[1], [0], [0], [1], [0, 0, 1, 1], [], []>, transpose_lhs_hint = false} : vector<384x384xbf16>, vector<384x300xbf16>, vector<384x300xf32> -> vector<384x300xf32>
    %add3A_502 = arith.addf %add3A_499, %dot_general3A_501 : vector<384x300xf32>
    %dot_general3A_503 = arith.constant dense<0.000000e+00> : vector<384x300xf32>
    %dot_general3A_504 = tpu.matmul %add3A_502, %get3A_88, %dot_general3A_503 {dimension_numbers = #tpu.dot_dimension_numbers<[1], [0], [0], [1], [0, 0, 1, 1], [], []>, transpose_lhs_hint = false} : vector<384x300xf32>, vector<300x300xf32>, vector<384x300xf32> -> vector<384x300xf32>
    %add3A_505 = arith.addf %max3A_437, %dot_general3A_504 : vector<384x300xf32>
    %add3A_506 = vector.broadcast %get3A_91 : vector<1x300xf32> to vector<384x300xf32>
    %add3A_507 = arith.addf %add3A_505, %add3A_506 : vector<384x300xf32>
    %max3A_508 = arith.constant 0.000000e+00 : f32
    %max3A_509 = vector.broadcast %max3A_508 : f32 to vector<384x300xf32>
    %max3A_510 = arith.maximumf %add3A_507, %max3A_509 : vector<384x300xf32>
    %reshape3A_511 = vector.shape_cast %max3A_510 : vector<384x300xf32> to vector<32x12x300xf32>
    %convert_element_type3A_512 = arith.truncf %reshape3A_511 : vector<32x12x300xf32> to vector<32x12x300xbf16>
    %convert_element_type3A_513 = arith.extf %convert_element_type3A_512 : vector<32x12x300xbf16> to vector<32x12x300xf32>
    %mul3A_514 = vector.broadcast %convert_element_type3A_96 : vector<1x1x300xf32> to vector<32x12x300xf32>
    %mul3A_515 = arith.mulf %convert_element_type3A_513, %mul3A_514 : vector<32x12x300xf32>
    %reduce_sum3A_516 = arith.constant dense<0.000000e+00> : vector<32x12xf32>
    %reduce_sum3A_517 = vector.multi_reduction <add>, %mul3A_515, %reduce_sum3A_516 [2] : vector<32x12x300xf32> to vector<32x12xf32>
    %reduce_max3A_518 = arith.constant dense<0xFF800000> : vector<32xf32>
    %reduce_max3A_519 = vector.multi_reduction <maximumf>, %reduce_sum3A_517, %reduce_max3A_518 [1] : vector<32x12xf32> to vector<32xf32>
    %broadcast_in_dim3A_520 = vector.shape_cast %reduce_max3A_519 : vector<32xf32> to vector<32x1xf32>
    %sub3A_521 = vector.broadcast %broadcast_in_dim3A_520 : vector<32x1xf32> to vector<32x12xf32>
    %sub3A_522 = arith.subf %reduce_sum3A_517, %sub3A_521 : vector<32x12xf32>
    %exp3A_523 = math.exp %sub3A_522 : vector<32x12xf32>
    %reduce_sum3A_524 = arith.constant dense<0.000000e+00> : vector<32xf32>
    %reduce_sum3A_525 = vector.multi_reduction <add>, %exp3A_523, %reduce_sum3A_524 [1] : vector<32x12xf32> to vector<32xf32>
    %broadcast_in_dim3A_526 = vector.shape_cast %reduce_sum3A_525 : vector<32xf32> to vector<32x1xf32>
    %div3A_527 = vector.broadcast %broadcast_in_dim3A_526 : vector<32x1xf32> to vector<32x12xf32>
    %div3A_528 = arith.divf %exp3A_523, %div3A_527 : vector<32x12xf32>
    %broadcast_in_dim3A_529 = vector.shape_cast %div3A_528 : vector<32x12xf32> to vector<32x12x1xf32>
    %mul3A_530 = vector.broadcast %broadcast_in_dim3A_529 : vector<32x12x1xf32> to vector<32x12x300xf32>
    %mul3A_531 = arith.mulf %mul3A_530, %reshape3A_511 : vector<32x12x300xf32>
    %reduce_sum3A_532 = arith.constant dense<0.000000e+00> : vector<32x300xf32>
    %reduce_sum3A_533 = vector.multi_reduction <add>, %mul3A_531, %reduce_sum3A_532 [1] : vector<32x12x300xf32> to vector<32x300xf32>
    %swap3A_534 = arith.constant 96 : index
    %swap3A_535 = arith.constant 0 : index
    %swap3A_536 = vector.load %arg8[%swap3A_534, %swap3A_535] : memref<128x300xf32, #tpu.memory_space<vmem>>, vector<32x300xf32>
    tpu.vector_store %arg8[%swap3A_534, %swap3A_535], %reduce_sum3A_533 {strides = array<i32>} : memref<128x300xf32, #tpu.memory_space<vmem>>, vector<32x300xf32>,
    return
  }
  func.func @transform_0(%arg0: i32) -> (i32, i32) {
    %c0_i32 = arith.constant 0 : i32
    %c0_i32_0 = arith.constant 0 : i32
    return %arg0, %c0_i32 : i32, i32
  }
  func.func @transform_1(%arg0: i32) -> (i32, i32) {
    %c0_i32 = arith.constant 0 : i32
    %c0_i32_0 = arith.constant 0 : i32
    return %arg0, %c0_i32 : i32, i32
  }
  func.func @transform_2(%arg0: i32) -> (i32, i32) {
    %c0_i32 = arith.constant 0 : i32
    %c0_i32_0 = arith.constant 0 : i32
    %c0_i32_1 = arith.constant 0 : i32
    return %c0_i32, %c0_i32_0 : i32, i32
  }
  func.func @transform_3(%arg0: i32) -> (i32, i32) {
    %c0_i32 = arith.constant 0 : i32
    %c0_i32_0 = arith.constant 0 : i32
    %c0_i32_1 = arith.constant 0 : i32
    return %c0_i32, %c0_i32_0 : i32, i32
  }
  func.func @transform_4(%arg0: i32) -> (i32, i32) {
    %c0_i32 = arith.constant 0 : i32
    %c0_i32_0 = arith.constant 0 : i32
    %c0_i32_1 = arith.constant 0 : i32
    return %c0_i32, %c0_i32_0 : i32, i32
  }
  func.func @transform_5(%arg0: i32) -> (i32, i32) {
    %c0_i32 = arith.constant 0 : i32
    %c0_i32_0 = arith.constant 0 : i32
    %c0_i32_1 = arith.constant 0 : i32
    return %c0_i32, %c0_i32_0 : i32, i32
  }
  func.func @transform_6(%arg0: i32) -> (i32, i32) {
    %c0_i32 = arith.constant 0 : i32
    %c0_i32_0 = arith.constant 0 : i32
    %c0_i32_1 = arith.constant 0 : i32
    return %c0_i32, %c0_i32_0 : i32, i32
  }
  func.func @transform_7(%arg0: i32) -> (i32, i32) {
    %c0_i32 = arith.constant 0 : i32
    %c0_i32_0 = arith.constant 0 : i32
    return %arg0, %c0_i32 : i32, i32
  }
}

module attributes {stable_mosaic.version = 14 : i64} {
  func.func @_head_kernel(%arg0: i32, %arg1: memref<256x300xf32, #tpu.memory_space<vmem>>, %arg2: memref<256x300xf32, #tpu.memory_space<vmem>>, %arg3: memref<256x300xf32, #tpu.memory_space<vmem>>, %arg4: memref<256x300xf32, #tpu.memory_space<vmem>>, %arg5: memref<300x300xf32, #tpu.memory_space<vmem>>, %arg6: memref<1x300xf32, #tpu.memory_space<vmem>>, %arg7: memref<300x300xf32, #tpu.memory_space<vmem>>, %arg8: memref<1x300xf32, #tpu.memory_space<vmem>>, %arg9: memref<300x128xf32, #tpu.memory_space<vmem>>, %arg10: memref<1x128xf32, #tpu.memory_space<vmem>>, %arg11: memref<128x128xf32, #tpu.memory_space<vmem>>, %arg12: memref<1x128xf32, #tpu.memory_space<vmem>>, %arg13: memref<128x128xf32, #tpu.memory_space<vmem>>, %arg14: memref<1x128xf32, #tpu.memory_space<vmem>>, %arg15: memref<128x7xf32, #tpu.memory_space<vmem>>, %arg16: memref<1x7xf32, #tpu.memory_space<vmem>>, %arg17: memref<256x7xf32, #tpu.memory_space<vmem>>) attributes {dimension_semantics = [#tpu.dimension_semantics<arbitrary>], iteration_bounds = array<i64: 4>, scalar_prefetch = 0 : i64, scratch_operands = 0 : i64, tpu.core_type = #tpu.core_type<tc>, window_params = [{transform_indices = @transform_0, window_bounds = array<i64: 256, 300>}, {transform_indices = @transform_1, window_bounds = array<i64: 256, 300>}, {transform_indices = @transform_2, window_bounds = array<i64: 256, 300>}, {transform_indices = @transform_3, window_bounds = array<i64: 256, 300>}, {pipeline_mode = #tpu.pipeline_mode<synchronous>, transform_indices = @transform_4, window_bounds = array<i64: 300, 300>}, {pipeline_mode = #tpu.pipeline_mode<synchronous>, transform_indices = @transform_5, window_bounds = array<i64: 1, 300>}, {pipeline_mode = #tpu.pipeline_mode<synchronous>, transform_indices = @transform_6, window_bounds = array<i64: 300, 300>}, {pipeline_mode = #tpu.pipeline_mode<synchronous>, transform_indices = @transform_7, window_bounds = array<i64: 1, 300>}, {pipeline_mode = #tpu.pipeline_mode<synchronous>, transform_indices = @transform_8, window_bounds = array<i64: 300, 128>}, {pipeline_mode = #tpu.pipeline_mode<synchronous>, transform_indices = @transform_9, window_bounds = array<i64: 1, 128>}, {pipeline_mode = #tpu.pipeline_mode<synchronous>, transform_indices = @transform_10, window_bounds = array<i64: 128, 128>}, {pipeline_mode = #tpu.pipeline_mode<synchronous>, transform_indices = @transform_11, window_bounds = array<i64: 1, 128>}, {pipeline_mode = #tpu.pipeline_mode<synchronous>, transform_indices = @transform_12, window_bounds = array<i64: 128, 128>}, {pipeline_mode = #tpu.pipeline_mode<synchronous>, transform_indices = @transform_13, window_bounds = array<i64: 1, 128>}, {pipeline_mode = #tpu.pipeline_mode<synchronous>, transform_indices = @transform_14, window_bounds = array<i64: 128, 7>}, {pipeline_mode = #tpu.pipeline_mode<synchronous>, transform_indices = @transform_15, window_bounds = array<i64: 1, 7>}, {transform_indices = @transform_16, window_bounds = array<i64: 256, 7>}]} {
    %get3A = arith.constant 0 : index
    %get3A_0 = arith.constant 0 : index
    %get3A_1 = vector.load %arg5[%get3A, %get3A_0] : memref<300x300xf32, #tpu.memory_space<vmem>>, vector<300x300xf32>
    %get3A_2 = arith.constant 0 : index
    %get3A_3 = arith.constant 0 : index
    %get3A_4 = vector.load %arg6[%get3A_2, %get3A_3] : memref<1x300xf32, #tpu.memory_space<vmem>>, vector<1x300xf32>
    %get3A_5 = arith.constant 0 : index
    %get3A_6 = arith.constant 0 : index
    %get3A_7 = vector.load %arg1[%get3A_5, %get3A_6] : memref<256x300xf32, #tpu.memory_space<vmem>>, vector<256x300xf32>
    %dot_general3A = arith.constant dense<0.000000e+00> : vector<256x300xf32>
    %dot_general3A_8 = tpu.matmul %get3A_7, %get3A_1, %dot_general3A {dimension_numbers = #tpu.dot_dimension_numbers<[1], [0], [0], [1], [0, 0, 1, 1], [], []>, transpose_lhs_hint = false} : vector<256x300xf32>, vector<300x300xf32>, vector<256x300xf32> -> vector<256x300xf32>
    %add3A = vector.broadcast %get3A_4 : vector<1x300xf32> to vector<256x300xf32>
    %add3A_9 = arith.addf %dot_general3A_8, %add3A : vector<256x300xf32>
    %get3A_10 = arith.constant 0 : index
    %get3A_11 = arith.constant 0 : index
    %get3A_12 = vector.load %arg2[%get3A_10, %get3A_11] : memref<256x300xf32, #tpu.memory_space<vmem>>, vector<256x300xf32>
    %dot_general3A_13 = arith.constant dense<0.000000e+00> : vector<256x300xf32>
    %dot_general3A_14 = tpu.matmul %get3A_12, %get3A_1, %dot_general3A_13 {dimension_numbers = #tpu.dot_dimension_numbers<[1], [0], [0], [1], [0, 0, 1, 1], [], []>, transpose_lhs_hint = false} : vector<256x300xf32>, vector<300x300xf32>, vector<256x300xf32> -> vector<256x300xf32>
    %add3A_15 = vector.broadcast %get3A_4 : vector<1x300xf32> to vector<256x300xf32>
    %add3A_16 = arith.addf %dot_general3A_14, %add3A_15 : vector<256x300xf32>
    %get3A_17 = arith.constant 0 : index
    %get3A_18 = arith.constant 0 : index
    %get3A_19 = vector.load %arg3[%get3A_17, %get3A_18] : memref<256x300xf32, #tpu.memory_space<vmem>>, vector<256x300xf32>
    %dot_general3A_20 = arith.constant dense<0.000000e+00> : vector<256x300xf32>
    %dot_general3A_21 = tpu.matmul %get3A_19, %get3A_1, %dot_general3A_20 {dimension_numbers = #tpu.dot_dimension_numbers<[1], [0], [0], [1], [0, 0, 1, 1], [], []>, transpose_lhs_hint = false} : vector<256x300xf32>, vector<300x300xf32>, vector<256x300xf32> -> vector<256x300xf32>
    %add3A_22 = vector.broadcast %get3A_4 : vector<1x300xf32> to vector<256x300xf32>
    %add3A_23 = arith.addf %dot_general3A_21, %add3A_22 : vector<256x300xf32>
    %get3A_24 = arith.constant 0 : index
    %get3A_25 = arith.constant 0 : index
    %get3A_26 = vector.load %arg4[%get3A_24, %get3A_25] : memref<256x300xf32, #tpu.memory_space<vmem>>, vector<256x300xf32>
    %get3A_27 = arith.constant 0 : index
    %get3A_28 = arith.constant 0 : index
    %get3A_29 = vector.load %arg7[%get3A_27, %get3A_28] : memref<300x300xf32, #tpu.memory_space<vmem>>, vector<300x300xf32>
    %dot_general3A_30 = arith.constant dense<0.000000e+00> : vector<256x300xf32>
    %dot_general3A_31 = tpu.matmul %get3A_26, %get3A_29, %dot_general3A_30 {dimension_numbers = #tpu.dot_dimension_numbers<[1], [0], [0], [1], [0, 0, 1, 1], [], []>, transpose_lhs_hint = false} : vector<256x300xf32>, vector<300x300xf32>, vector<256x300xf32> -> vector<256x300xf32>
    %get3A_32 = arith.constant 0 : index
    %get3A_33 = arith.constant 0 : index
    %get3A_34 = vector.load %arg8[%get3A_32, %get3A_33] : memref<1x300xf32, #tpu.memory_space<vmem>>, vector<1x300xf32>
    %add3A_35 = vector.broadcast %get3A_34 : vector<1x300xf32> to vector<256x300xf32>
    %add3A_36 = arith.addf %dot_general3A_31, %add3A_35 : vector<256x300xf32>
    %add3A_37 = arith.addf %add3A_9, %add3A_16 : vector<256x300xf32>
    %add3A_38 = arith.addf %add3A_37, %add3A_23 : vector<256x300xf32>
    %div3A = arith.constant 3.000000e+00 : f32
    %div3A_39 = vector.broadcast %div3A : f32 to vector<256x300xf32>
    %div3A_40 = arith.divf %add3A_38, %div3A_39 : vector<256x300xf32>
    %add3A_41 = arith.addf %div3A_40, %add3A_36 : vector<256x300xf32>
    %get3A_42 = arith.constant 0 : index
    %get3A_43 = arith.constant 0 : index
    %get3A_44 = vector.load %arg9[%get3A_42, %get3A_43] : memref<300x128xf32, #tpu.memory_space<vmem>>, vector<300x128xf32>
    %dot_general3A_45 = arith.constant dense<0.000000e+00> : vector<256x128xf32>
    %dot_general3A_46 = tpu.matmul %add3A_41, %get3A_44, %dot_general3A_45 {dimension_numbers = #tpu.dot_dimension_numbers<[1], [0], [0], [1], [0, 0, 1, 1], [], []>, transpose_lhs_hint = false} : vector<256x300xf32>, vector<300x128xf32>, vector<256x128xf32> -> vector<256x128xf32>
    %get3A_47 = arith.constant 0 : index
    %get3A_48 = arith.constant 0 : index
    %get3A_49 = vector.load %arg10[%get3A_47, %get3A_48] : memref<1x128xf32, #tpu.memory_space<vmem>>, vector<1x128xf32>
    %add3A_50 = vector.broadcast %get3A_49 : vector<1x128xf32> to vector<256x128xf32>
    %add3A_51 = arith.addf %dot_general3A_46, %add3A_50 : vector<256x128xf32>
    %max3A = arith.constant 0.000000e+00 : f32
    %max3A_52 = vector.broadcast %max3A : f32 to vector<256x128xf32>
    %max3A_53 = arith.maximumf %add3A_51, %max3A_52 : vector<256x128xf32>
    %get3A_54 = arith.constant 0 : index
    %get3A_55 = arith.constant 0 : index
    %get3A_56 = vector.load %arg11[%get3A_54, %get3A_55] : memref<128x128xf32, #tpu.memory_space<vmem>>, vector<128x128xf32>
    %dot_general3A_57 = arith.constant dense<0.000000e+00> : vector<256x128xf32>
    %dot_general3A_58 = tpu.matmul %max3A_53, %get3A_56, %dot_general3A_57 {dimension_numbers = #tpu.dot_dimension_numbers<[1], [0], [0], [1], [0, 0, 1, 1], [], []>, transpose_lhs_hint = false} : vector<256x128xf32>, vector<128x128xf32>, vector<256x128xf32> -> vector<256x128xf32>
    %get3A_59 = arith.constant 0 : index
    %get3A_60 = arith.constant 0 : index
    %get3A_61 = vector.load %arg12[%get3A_59, %get3A_60] : memref<1x128xf32, #tpu.memory_space<vmem>>, vector<1x128xf32>
    %add3A_62 = vector.broadcast %get3A_61 : vector<1x128xf32> to vector<256x128xf32>
    %add3A_63 = arith.addf %dot_general3A_58, %add3A_62 : vector<256x128xf32>
    %max3A_64 = arith.constant 0.000000e+00 : f32
    %max3A_65 = vector.broadcast %max3A_64 : f32 to vector<256x128xf32>
    %max3A_66 = arith.maximumf %add3A_63, %max3A_65 : vector<256x128xf32>
    %get3A_67 = arith.constant 0 : index
    %get3A_68 = arith.constant 0 : index
    %get3A_69 = vector.load %arg13[%get3A_67, %get3A_68] : memref<128x128xf32, #tpu.memory_space<vmem>>, vector<128x128xf32>
    %dot_general3A_70 = arith.constant dense<0.000000e+00> : vector<256x128xf32>
    %dot_general3A_71 = tpu.matmul %max3A_66, %get3A_69, %dot_general3A_70 {dimension_numbers = #tpu.dot_dimension_numbers<[1], [0], [0], [1], [0, 0, 1, 1], [], []>, transpose_lhs_hint = false} : vector<256x128xf32>, vector<128x128xf32>, vector<256x128xf32> -> vector<256x128xf32>
    %get3A_72 = arith.constant 0 : index
    %get3A_73 = arith.constant 0 : index
    %get3A_74 = vector.load %arg14[%get3A_72, %get3A_73] : memref<1x128xf32, #tpu.memory_space<vmem>>, vector<1x128xf32>
    %add3A_75 = vector.broadcast %get3A_74 : vector<1x128xf32> to vector<256x128xf32>
    %add3A_76 = arith.addf %dot_general3A_71, %add3A_75 : vector<256x128xf32>
    %max3A_77 = arith.constant 0.000000e+00 : f32
    %max3A_78 = vector.broadcast %max3A_77 : f32 to vector<256x128xf32>
    %max3A_79 = arith.maximumf %add3A_76, %max3A_78 : vector<256x128xf32>
    %get3A_80 = arith.constant 0 : index
    %get3A_81 = arith.constant 0 : index
    %get3A_82 = vector.load %arg15[%get3A_80, %get3A_81] : memref<128x7xf32, #tpu.memory_space<vmem>>, vector<128x7xf32>
    %dot_general3A_83 = arith.constant dense<0.000000e+00> : vector<256x7xf32>
    %dot_general3A_84 = tpu.matmul %max3A_79, %get3A_82, %dot_general3A_83 {dimension_numbers = #tpu.dot_dimension_numbers<[1], [0], [0], [1], [0, 0, 1, 1], [], []>, transpose_lhs_hint = false} : vector<256x128xf32>, vector<128x7xf32>, vector<256x7xf32> -> vector<256x7xf32>
    %get3A_85 = arith.constant 0 : index
    %get3A_86 = arith.constant 0 : index
    %get3A_87 = vector.load %arg16[%get3A_85, %get3A_86] : memref<1x7xf32, #tpu.memory_space<vmem>>, vector<1x7xf32>
    %add3A_88 = vector.broadcast %get3A_87 : vector<1x7xf32> to vector<256x7xf32>
    %add3A_89 = arith.addf %dot_general3A_84, %add3A_88 : vector<256x7xf32>
    %swap3A = arith.constant 0 : index
    %swap3A_90 = arith.constant 0 : index
    %swap3A_91 = vector.load %arg17[%swap3A, %swap3A_90] : memref<256x7xf32, #tpu.memory_space<vmem>>, vector<256x7xf32>
    tpu.vector_store %arg17[%swap3A, %swap3A_90], %add3A_89 {strides = array<i32>} : memref<256x7xf32, #tpu.memory_space<vmem>>, vector<256x7xf32>,
    return
  }
  func.func @transform_0(%arg0: i32) -> (i32, i32) {
    %c0_i32 = arith.constant 0 : i32
    %c0_i32_0 = arith.constant 0 : i32
    return %arg0, %c0_i32 : i32, i32
  }
  func.func @transform_1(%arg0: i32) -> (i32, i32) {
    %c0_i32 = arith.constant 0 : i32
    %c0_i32_0 = arith.constant 0 : i32
    return %arg0, %c0_i32 : i32, i32
  }
  func.func @transform_2(%arg0: i32) -> (i32, i32) {
    %c0_i32 = arith.constant 0 : i32
    %c0_i32_0 = arith.constant 0 : i32
    return %arg0, %c0_i32 : i32, i32
  }
  func.func @transform_3(%arg0: i32) -> (i32, i32) {
    %c0_i32 = arith.constant 0 : i32
    %c0_i32_0 = arith.constant 0 : i32
    return %arg0, %c0_i32 : i32, i32
  }
  func.func @transform_4(%arg0: i32) -> (i32, i32) {
    %c0_i32 = arith.constant 0 : i32
    %c0_i32_0 = arith.constant 0 : i32
    %c0_i32_1 = arith.constant 0 : i32
    return %c0_i32, %c0_i32_0 : i32, i32
  }
  func.func @transform_5(%arg0: i32) -> (i32, i32) {
    %c0_i32 = arith.constant 0 : i32
    %c0_i32_0 = arith.constant 0 : i32
    %c0_i32_1 = arith.constant 0 : i32
    return %c0_i32, %c0_i32_0 : i32, i32
  }
  func.func @transform_6(%arg0: i32) -> (i32, i32) {
    %c0_i32 = arith.constant 0 : i32
    %c0_i32_0 = arith.constant 0 : i32
    %c0_i32_1 = arith.constant 0 : i32
    return %c0_i32, %c0_i32_0 : i32, i32
  }
  func.func @transform_7(%arg0: i32) -> (i32, i32) {
    %c0_i32 = arith.constant 0 : i32
    %c0_i32_0 = arith.constant 0 : i32
    %c0_i32_1 = arith.constant 0 : i32
    return %c0_i32, %c0_i32_0 : i32, i32
  }
  func.func @transform_8(%arg0: i32) -> (i32, i32) {
    %c0_i32 = arith.constant 0 : i32
    %c0_i32_0 = arith.constant 0 : i32
    %c0_i32_1 = arith.constant 0 : i32
    return %c0_i32, %c0_i32_0 : i32, i32
  }
  func.func @transform_9(%arg0: i32) -> (i32, i32) {
    %c0_i32 = arith.constant 0 : i32
    %c0_i32_0 = arith.constant 0 : i32
    %c0_i32_1 = arith.constant 0 : i32
    return %c0_i32, %c0_i32_0 : i32, i32
  }
  func.func @transform_10(%arg0: i32) -> (i32, i32) {
    %c0_i32 = arith.constant 0 : i32
    %c0_i32_0 = arith.constant 0 : i32
    %c0_i32_1 = arith.constant 0 : i32
    return %c0_i32, %c0_i32_0 : i32, i32
  }
  func.func @transform_11(%arg0: i32) -> (i32, i32) {
    %c0_i32 = arith.constant 0 : i32
    %c0_i32_0 = arith.constant 0 : i32
    %c0_i32_1 = arith.constant 0 : i32
    return %c0_i32, %c0_i32_0 : i32, i32
  }
  func.func @transform_12(%arg0: i32) -> (i32, i32) {
    %c0_i32 = arith.constant 0 : i32
    %c0_i32_0 = arith.constant 0 : i32
    %c0_i32_1 = arith.constant 0 : i32
    return %c0_i32, %c0_i32_0 : i32, i32
  }
  func.func @transform_13(%arg0: i32) -> (i32, i32) {
    %c0_i32 = arith.constant 0 : i32
    %c0_i32_0 = arith.constant 0 : i32
    %c0_i32_1 = arith.constant 0 : i32
    return %c0_i32, %c0_i32_0 : i32, i32
  }
  func.func @transform_14(%arg0: i32) -> (i32, i32) {
    %c0_i32 = arith.constant 0 : i32
    %c0_i32_0 = arith.constant 0 : i32
    %c0_i32_1 = arith.constant 0 : i32
    return %c0_i32, %c0_i32_0 : i32, i32
  }
  func.func @transform_15(%arg0: i32) -> (i32, i32) {
    %c0_i32 = arith.constant 0 : i32
    %c0_i32_0 = arith.constant 0 : i32
    %c0_i32_1 = arith.constant 0 : i32
    return %c0_i32, %c0_i32_0 : i32, i32
  }
  func.func @transform_16(%arg0: i32) -> (i32, i32) {
    %c0_i32 = arith.constant 0 : i32
    %c0_i32_0 = arith.constant 0 : i32
    return %arg0, %c0_i32 : i32, i32
  }
}

</mosaic_0001>

<sc_bundles>
// kernel: kernel.6.cloned.1.call-start
scs
__scs_entry_jumppad:
0x0: {  	(pc) =	sbr.rel $0x88, $3  }
0x1: {  	(tag) =	ssettag $0x0;
	lr =	simm.s32 $0x1  }
0x2: {  	[smem:$0x3F87] =	sst lr;
	_ =	strace $0xD0000000  }
0x3: {  	_ = 	snop  }
0x4: {  	_ = 	snop  }
0x5: {  	_ = 	snop  }
0x6: {  	_ = 	snop  }
0x7: {  	_ = 	snop  }
__scs_overlays_trampoline_lowered:
0x8: {  	[smem:$0x3F96] =	sst s0  }
0x9: {  	[smem:$0x3F97] =	sst s1  }
0xa: {  	[smem:$0x3F98] =	sst s2  }
0xb: {  	[smem:$0x3F99] =	sst s3  }
0xc: {  	[smem:$0x3F9A] =	sst s4  }
0xd: {  	[smem:$0x3F9B] =	sst s5  }
0xe: {  	[smem:$0x3F9C] =	sst s6  }
0xf: {  	[smem:$0x3F9D] =	sst s7  }
0x10: {  	[smem:$0x3F9E] =	sst s8  }
0x11: {  	[smem:$0x3F9F] =	sst s9;
	s0 =	simm.s32 @!p0 $0x0  }
0x12: {  	s1 =	sld [smem:$0x3F85];
	s0 =	simm.s32 @p0 $0x1  }
0x13: {  	[smem:$0x3FA0] =	sst s0;
	s0 =	simm.s32 @!p1 $0x0  }
0x14: {  	s2 =	sld [smem:$0x3F84];
	s0 =	simm.s32 @p1 $0x1  }
0x15: {  	[smem:$0x3FA1] =	sst s0;
	s0 =	simm.s32 @!p2 $0x0  }
0x16: {  	s3 =	sld [smem:$0x3FDB];
	s0 =	simm.s32 @p2 $0x1  }
0x17: {  	s4 =	simm.s32 $0x1BF5;
	[smem:$0x3FA3] =	sst s0  }
0x18: {  	s0 =	sld [smem:$0x3F86];
	_ =	swait.ge [sflag:s4], $0x0  }
0x19: {  	s7 =	sld [smem:$0x3F87]  }
0x1a: {  	s8 =	sadd.s32 $0xFFFFE003, lr  }
0x1b: {  	s9 =	sadd.s32 $0xFFFFFEF7, lr;
	s5 =	simm.s32 $0xFFFFFFFF;
	p2 =	slt.u32 s8, $0xFFFFF086  }
0x1c: {  	p1 =	slt.u32 s9, $0xF7A;
	s5 =	simm.s32 @!p2 $0x0  }
0x1d: {  	s5 =	simm.s32 @p1 $0x1;
	p0 =	seq.s32 s7, s2  }
0x1e: {  	s7 =	smul.u32 @!p0 $0xF7A, s2;
	p2 =	seq.s32 @!p0 s5, $0x0  }
0x1f: {  	s9 =	smul.u32 $0xF7A, s1;
	s8 =	simm.s32 @!p0 $0x1BF5;
	p2 =	por !p2, p0  }
0x20: {  	[sflag:s8] =	ssyncset.s32 @!p0 $0xFFFFF086;
	s6 =	sadd.s32 @!p0 s3, s7;
	s7 =	simm.s32 @!p0 $0x108  }
0x21: {  	s3 =	sadd.s32 s3, s9;
	s6 =	sadd.s32 @!p0 $0x88, s6;
	s7 =	simm.s32 @p2 $0x1082  }
0x22: {  	[simem:s7], [sflag:s8] =	dma.local @!p0 [hbm:s6], $0xF7A  }
0x23: {  	s9 =	sor.u32 $0xD0000000, s2;
	s6 =	simm.s32 $0x108;
	_ =	swait.ge @!p0 [sflag:s8], $0x0  }
0x24: {  	s3 =	sadd.s32 $0x88, s3;
	s6 =	simm.s32 @!p1 $0x1082;
	[sflag:s4] =	ssyncset.s32 $0xFFFFF086  }
0x25: {  	[simem:s6], [sflag:s4] =	dma.local [hbm:s3], $0xF7A  }
0x26: {  	[smem:$0x3F87] =	sst s1;
	(tag) =	ssettag s2;
	_ =	strace s9  }
0x27: {  	s1 =	sld [smem:$0x3F97]  }
0x28: {  	s2 =	sld [smem:$0x3F98]  }
0x29: {  	s4 =	sld [smem:$0x3F9A]  }
0x2a: {  	p0 =	seq.s32 s5, $0x0;
	s5 =	sld [smem:$0x3F9B]  }
0x2b: {  	s6 =	sld [smem:$0x3F9C]  }
0x2c: {  	s7 =	sld [smem:$0x3F9D]  }
0x2d: {  	s3 =	simm.s32 $0x108;
	s8 =	sld [smem:$0x3F9E]  }
0x2e: {  	s3 =	simm.s32 @!p0 $0x1082;
	s9 =	sld [smem:$0x3F9F]  }
0x2f: {  	lr =	sadd.s32 s0, s3;
	s0 =	sld [smem:$0x3F96]  }
0x30: {  	s3 =	sld [smem:$0x3F99]  }
0x31: {  	[smem:$0x3FA2] =	sst s10  }
0x32: {  	s10 =	sld [smem:$0x3FA0];
	_ =	sdelay $0x3  }
0x33: {  	p0 =	seq.s32 s10, $0x1;
	s10 =	sld [smem:$0x3FA2];
	_ =	sdelay $0x3  }
0x34: {  	[smem:$0x3FA2] =	sst s10  }
0x35: {  	s10 =	sld [smem:$0x3FA1];
	_ =	sdelay $0x3  }
0x36: {  	p1 =	seq.s32 s10, $0x1;
	s10 =	sld [smem:$0x3FA2];
	_ =	sdelay $0x3  }
0x37: {  	[smem:$0x3FA2] =	sst s10  }
0x38: {  	s10 =	sld [smem:$0x3FA3]  }
0x39: {  	_ = 	snop;
	(pc) =	sbr.ind lr, $3  }
0x3a: {  	_ = 	snop  }
0x3b: {  	_ = 	snop  }
0x3c: {  	p2 =	seq.s32 s10, $0x1;
	s10 =	sld [smem:$0x3FA2]  }
0x3d: {  	_ =	shalt  }
0x3e: {  	_ =	shalt  }
0x3f: {  	_ =	shalt  }
0x40: {  	_ =	shalt  }
0x41: {  	_ =	shalt  }
0x42: {  	_ =	shalt  }
0x43: {  	_ =	shalt  }
0x44: {  	_ =	shalt  }
0x45: {  	_ =	shalt  }
0x46: {  	_ =	shalt  }
0x47: {  	_ =	shalt  }
0x48: {  	_ =	shalt  }
0x49: {  	_ =	shalt  }
0x4a: {  	_ =	shalt  }
0x4b: {  	_ =	shalt  }
0x4c: {  	_ =	shalt  }
0x4d: {  	_ =	shalt  }
0x4e: {  	_ =	shalt  }
0x4f: {  	_ =	shalt  }
0x50: {  	_ =	shalt  }
0x51: {  	_ =	shalt  }
0x52: {  	_ =	shalt  }
0x53: {  	_ =	shalt  }
0x54: {  	_ =	shalt  }
0x55: {  	_ =	shalt  }
0x56: {  	_ =	shalt  }
0x57: {  	_ =	shalt  }
0x58: {  	_ =	shalt  }
0x59: {  	_ =	shalt  }
0x5a: {  	_ =	shalt  }
0x5b: {  	_ =	shalt  }
0x5c: {  	_ =	shalt  }
0x5d: {  	_ =	shalt  }
0x5e: {  	_ =	shalt  }
0x5f: {  	_ =	shalt  }
0x60: {  	_ =	shalt  }
0x61: {  	_ =	shalt  }
0x62: {  	_ =	shalt  }
0x63: {  	_ =	shalt  }
0x64: {  	_ =	shalt  }
0x65: {  	_ =	shalt  }
0x66: {  	_ =	shalt  }
0x67: {  	_ =	shalt  }
0x68: {  	_ =	shalt  }
0x69: {  	_ =	shalt  }
0x6a: {  	_ =	shalt  }
0x6b: {  	_ =	shalt  }
0x6c: {  	_ =	shalt  }
0x6d: {  	_ =	shalt  }
0x6e: {  	_ =	shalt  }
0x6f: {  	_ =	shalt  }
0x70: {  	_ =	shalt  }
0x71: {  	_ =	shalt  }
0x72: {  	_ =	shalt  }
0x73: {  	_ =	shalt  }
0x74: {  	_ =	shalt  }
0x75: {  	_ =	shalt  }
0x76: {  	_ =	shalt  }
0x77: {  	_ =	shalt  }
0x78: {  	_ =	shalt  }
0x79: {  	_ =	shalt  }
0x7a: {  	_ =	shalt  }
0x7b: {  	_ =	shalt  }
0x7c: {  	_ =	shalt  }
0x7d: {  	_ =	shalt  }
0x7e: {  	_ =	shalt  }
0x7f: {  	_ =	shalt  }
0x80: {  	_ =	shalt  }
0x81: {  	_ =	shalt  }
0x82: {  	_ =	shalt  }
0x83: {  	_ =	shalt  }
0x84: {  	_ =	shalt  }
0x85: {  	_ =	shalt  }
0x86: {  	_ =	shalt  }
0x87: {  	_ =	shalt  }
.Lfunc_end0:
.L_simem_size_0:
called_computation_lowered:
.L_overlay_start_0:
0x88: {  	s2 =	sld [smem:$0x3FD9]  }
0x89: {  	s3 =	sld [smem:$0x3FFE];
	_ =	sdelay $0x1  }
0x8a: {  	s1 =	srdreg.scid  }
0x8b: {  	s0 =	sand.u32 $0x1, s1  }
0x8c: {  	s16 =	sshll.u32 s0, $0xA;
	s2 =	sadd.s32 s3, s2  }
0x8d: {  	s2 =	sadd.s32 s2, s16  }
0x8e: {  	[smem:$0x3FAE] =	sst s2  }
0x8f: {  	_ = 	snop  }
0x90: {  	(tm) =	ssettm $0x1  }
0x91: {  	s17 =	sld [smem:$0x3FFB];
	_ =	sdelay $0x3  }
0x92: {  	_ =	strace s17  }
0x93: {  	s2 =	sld [smem:$0x3FFC];
	_ =	sdelay $0x3  }
0x94: {  	_ =	strace s2  }
0x95: {  	s2 =	sld [smem:$0x3FFD];
	_ =	sdelay $0x3  }
0x96: {  	_ =	strace s2  }
0x97: {  	_ =	strace $0x8FFFFFFF  }
0x98: {  	s18 =	sld [smem:$0x3FDB];
	_ =	sdelay $0x1  }
0x99: {  	s19 =	simm.s32 $_scs_section_size  }
0x9a: {  	s4 =	simm.s32 $_size__tile_overlayer_lowered;
	s5 =	simm.s32 $_tile_overlayer_lowered  }
0x9b: {  	s22 =	simm.s32 $0x1BFF;
	s21 =	sshll.u32 s5, $0x1;
	s2 =	sadd.s32 s19, s18  }
0x9c: {  	s6 =	simm.s32 $0x0;
	s20 =	sshll.u32 s4, $0x1;
	s4 =	sadd.s32 s21, s2  }
0x9d: {  	[timem:s6], [sflag:s22] =	dma.local [hbm:s4], s20  }
0x9e: {  	_ =	swait.ge [sflag:s22], s20  }
0x9f: {  	s3 =	ssub.s32 $0x0, s20;
	[sflag:s22] =	ssyncset.done $0x0  }
0xa0: {  	[sflag:s22] =	ssyncadd.s32 s3;
	_ =	sdelay $0x1  }
0xa1: {  	s23 =	simm.s32 $0x1B8B  }
0xa2: {  	_ =	swait.ge [sflag:s23], $0x1  }
0xa3: {  	[sflag:s23] =	ssyncset.done $0x0  }
0xa4: {  	s25 =	simm.s32 $0x1B8E;
	s24 =	sld [smem:$0x3FFE];
	[sflag:s23] =	ssyncadd.s32 $0xFFFFFFFF  }
0xa5: {  	s26 =	simm.s32 $execute0_lowered;
	[smem:$0x3FD2] =	sst s25  }
0xa6: {  	s4 =	sshll.u32 s26, $0x1;
	_ =	strace $0x80000046;
	[dreg:$0x1] =	wrdreg $0xFFFFFFFF  }
0xa7: {  	s28 =	simm.s32 $_size_execute0_lowered;
	s2 =	sadd.s32 s2, s4;
	[dreg:$0x0] =	wrdreg $0x0  }
0xa8: {  	s4 =	sshll.u32 s28, $0x1;
	[dreg:$0x2] =	wrdreg s2  }
0xa9: {  	[dreg:$0x3] =	wrdreg s4  }
0xaa: {  	[dreg:$0x4] =	wrdreg $0xC0  }
0xab: {  	_ =	task [dreg:s6], $0x5FFFF  }
0xac: {  	[dreg:$0x1] =	wrdreg $0xFFFFFFFF  }
0xad: {  	[dreg:$0x0] =	wrdreg $0x60  }
0xae: {  	[dreg:$0x2] =	wrdreg s24  }
0xaf: {  	[dreg:$0x3] =	wrdreg $0x9  }
0xb0: {  	_ =	task.clear_ibuf [dreg:s6], $0x4FFFF;
	_ =	strace $0x90000046  }
0xb1: {  	s29 =	simm.s32 $0x9;
	_ =	strace $0x80000048  }
0xb2: {  	_ =	swait.ge [sflag:s29], $0x1  }
0xb3: {  	[sflag:s29] =	ssyncadd.s32 $0xFFFFFFFF  }
0xb4: {  	_ =	strace $0x90000048  }
0xb5: {  	_ =	sfence  }
0xb6: {  	s30 =	sld [smem:$0x0];
	_ =	sdelay $0x2  }
0xb7: {  	s31 =	sshll.u32 s1, $0xD;
	s1 =	sshrl.u32 s1, $0x2  }
0xb8: {  	s3 =	sand.u32 $0x4000, s31;
	s1 =	sadd.s32 s1, s30  }
0xb9: {  	s0 =	sor.u32 s3, s0;
	s1 =	sshll.u32 s1, $0x11  }
0xba: {  	s0 =	sor.u32 s1, s0  }
0xbb: {  	s0 =	sadd.s32 $0x8F2B, s0  }
0xbc: {  	[sflag:s0] =	ssyncadd.remote.s32 $0x1  }
0xbd: {  	_ =	sfence.sel $0xFFFF  }
0xbe: {  	[dreg:$0x0] =	wrdreg $0xFFFFFFFF;
	(pc) =	sbr.abs _section_cstart, $3  }
0xbf: {  	[dreg:$0x1] =	wrdreg $0xFFFFFFFF  }
0xc0: {  	_ =	task.clear_ibuf [dreg:s6], $0x2FFFF;
	_ =	strace $0x9FFFFFFF  }
0xc1: {  	(tm) =	ssettm $0x7FFFFFFF  }
tec
execute0_lowered:
.L_overlay_start_1:
0x0: {  	(tag) =	ssettag $0x1  }
0x1: {  	s1 =	srdreg.scid;
	s0 =	stileid.u32  }
0x2: {  	v19 =	vlaneseq.u32;
	s3 =	sand.u32 $0x1, s1;
	s30 =	sshll.u32 s0, $0x1  }
0x3: {  	v9 =	vmul.u32 $0xC, v19;
	v10 =	vmul.u32 $0x240, v19;
	s4 =	sor.u32 s3, s30  }
0x4: {  	s5 =	smul.u32 $0x60, s4  }
0x5: {  	v13 =	vimm.f32 $1.000000000e+00;
	s1 =	sshll.u32 s4, $0x5;
	v12 =	vadd.s32 $0xC0, v9;
	v15 =	vadd.s32 $0x2400, v10  }
0x6: {  	v17 =	vadd.s32 $0x4800, v10;
	v2 =	vmov s1;
	v0 =	vmov s5  }
0x7: {  	v5 =	vmul.u32 $0xC, v2;
	v1 =	vmul.u32 $0x18, v0;
	v0 =	vmul.u32 $0x18, v19  }
0x8: {  	s6 =	rddreg [dreg:$0x0];
	s2 =	simm.s32 $0x0;
	s11 =	simm.s32 $0x1;
	v20 =	vadd.s32 $0x6C00, v10;
	v22 =	vadd.s32 $0x9000, v10;
	v24 =	vadd.s32 $0xB400, v10  }
0x9: {  	s12 =	simm.s32 $0xFC00;
	s13 =	simm.s32 $0x10E00;
	s14 =	simm.s32 $0x11100;
	v11 =	vbroadcast v5, $0x0;
	v7 =	vbroadcast v1, $0x0;
	v1 =	vadd.s32 $0x180, v0  }
0xa: {  	s15 =	simm.s32 $0xD800;
	s16 =	simm.s32 $0x0;
	s7 =	smul.u32 $0x1B00, s4;
	v4 =	vadd.s32 $0x300, v0;
	v6 =	vadd.s32 $0x480, v0;
	v8 =	vadd.s32 $0x780, v0  }
0xb: {  	[smem:$0x7FF] =	sst s2;
	s3 =	ssub.s32 $0x2, s3;
	s4 =	smul.u32 $0x240, s4;
	v2 =	vadd.s32 v0, v7;
	v5 =	vadd.s32 v6, v7;
	v6 =	vor.u32 $0x600, v0  }
0xc: {  	s31 =	sshrl.u32 s3, $0x1;
	s1 =	rddreg [dreg:$0x1];
	_ =	strace $0x80000047;
	v3 =	vadd.s32 v1, v7;
	v4 =	vadd.s32 v4, v7;
	v6 =	vadd.s32 v6, v7  }
0xd: {  	s10 =	ssub.s32 s3, s31;
	s8 =	sadd.s32 s5, s6;
	s9 =	sadd.s32 s4, s6;
	v7 =	vadd.s32 v8, v7;
	v8 =	vadd.s32 v9, v11;
	v9 =	vmul.u32 $0x30, v19  }
0xe: {  	s7 =	sadd.s32 s7, s6;
	s3 =	sadd.s32 $0x8400, s9;
	s4 =	sadd.s32 $0x3C00, s9;
	v11 =	vadd.s32 v12, v11;
	v12 =	vimm.f32 $0.0e+00;
	v19 =	vmul.u32 $0x90, v19  }
0xf: {  	s5 =	sadd.s32 $0xD800, s8;
	s6 =	sadd.s32 $0xCC00, s8;
	s7 =	sadd.s32 $0xE400, s7;
	v14 =	vadd.s32 $0x300, v9;
	v16 =	vadd.s32 $0x600, v9;
	v18 =	vadd.s32 $0x900, v9  }
0x10: {  	s8 =	sadd.s32 $0x44400, s9;
	s9 =	smax.u32 s10, $0x1;
	s10 =	simm.s32 $0xEA00;
	v21 =	vor.u32 $0xC00, v9;
	v23 =	vadd.s32 $0xF00, v9;
	v25 =	vadd.s32 $0x900, v19  }
.LBB2_1:
0x11: {  	[tilespmem:s10], [sflag:$0x1] =	stream.linear.gather [hbm4b:s3+s2], $0x1200, $0x38;
	[tilespmem:$0x11400] =	vst v63  }
0x12: {  	_ =	swait.ge [sflag:s11], $0x1200  }
0x13: {  	[sflag:s11] =	ssyncset.done $0x0  }
0x14: {  	[sflag:s11] =	ssyncadd.s32 $0xFFFFEE00  }
0x15: {  	[tilespmem:s12], [sflag:$0x1] =	stream.linear.gather [hbm4b:s4+s2], $0x1200, $0x38;
	[tilespmem:$0x11400] =	vst v63  }
0x16: {  	_ =	swait.ge [sflag:s11], $0x1200  }
0x17: {  	[sflag:s11] =	ssyncset.done $0x0  }
0x18: {  	[sflag:s11] =	ssyncadd.s32 $0xFFFFEE00  }
0x19: {  	[tilespmem:s13], [sflag:$0x1] =	stream.linear.gather [hbm4b:s5+s2], $0x300, $0x38;
	[tilespmem:$0x11400] =	vst v63  }
0x1a: {  	_ =	swait.ge [sflag:s11], $0x300  }
0x1b: {  	[sflag:s11] =	ssyncset.done $0x0  }
0x1c: {  	[sflag:s11] =	ssyncadd.s32 $0xFFFFFD00  }
0x1d: {  	[tilespmem:s14], [sflag:$0x1] =	stream.linear.gather [hbm4b:s6+s2], $0x300, $0x38;
	[tilespmem:$0x11400] =	vst v63  }
0x1e: {  	_ =	swait.ge [sflag:s11], $0x300  }
0x1f: {  	[sflag:s11] =	ssyncset.done $0x0  }
0x20: {  	s18 =	simm.s32 $0x0;
	s17 =	simm.s32 $0x200;
	[sflag:s11] =	ssyncadd.s32 $0xFFFFFD00  }
.LBB2_2:
0x21: {  	p0 =	sne.s32 s17, $0x35E00;
	[tilespmem:s18+$0x70] =	vst v12  }
0x22: {  	[tilespmem:s18+$0x0] =	vst v12  }
0x23: {  	[tilespmem:s18+$0x10] =	vst v12  }
.Ltmp0:
0x24: {  	[tilespmem:s18+$0x20] =	vst v12;
	(pc) =	sbr.rel @p0 .LBB2_2-.Ltmp0, $4  }
0x25: {  	[tilespmem:s18+$0x30] =	vst v12  }
0x26: {  	[tilespmem:s18+$0x40] =	vst v12  }
0x27: {  	[tilespmem:s18+$0x50] =	vst v12  }
0x28: {  	[tilespmem:s18+$0x60] =	vst v12;
	s18 =	sshra.s32 s17, $0x2;
	s17 =	sadd.s32 $0x200, s17  }
0x29: {  	[tilespmem:s18+$0x70] =	vst v12  }
0x2a: {  	[tilespmem:s18+$0x0] =	vst v12  }
0x2b: {  	[tilespmem:s18+$0x10] =	vst v12  }
0x2c: {  	[tilespmem:s18+$0x20] =	vst v12  }
0x2d: {  	[tilespmem:s18+$0x30] =	vst v12  }
0x2e: {  	[tilespmem:s18+$0x40] =	vst v12  }
0x2f: {  	[tilespmem:s18+$0x50] =	vst v12  }
0x30: {  	s17 =	simm.s32 $0x0;
	[tilespmem:s18+$0x60] =	vst v12;
	s18 =	simm.s32 $0x0;
	s19 =	simm.s32 $0x200  }
.LBB2_4:
0x31: {  	p0 =	sne.s32 s19, $0x4600;
	[tilespmem:s18+$0xD870] =	vst v12  }
0x32: {  	[tilespmem:s18+$0xD800] =	vst v12  }
0x33: {  	[tilespmem:s18+$0xD810] =	vst v12  }
.Ltmp1:
0x34: {  	[tilespmem:s18+$0xD820] =	vst v12;
	(pc) =	sbr.rel @p0 .LBB2_4-.Ltmp1, $4  }
0x35: {  	[tilespmem:s18+$0xD830] =	vst v12  }
0x36: {  	[tilespmem:s18+$0xD840] =	vst v12  }
0x37: {  	[tilespmem:s18+$0xD850] =	vst v12  }
0x38: {  	[tilespmem:s18+$0xD860] =	vst v12;
	s18 =	sshra.s32 s19, $0x2;
	s19 =	sadd.s32 $0x200, s19  }
0x39: {  	[tilespmem:s18+$0xD870] =	vst v12  }
0x3a: {  	[tilespmem:s18+$0xD800] =	vst v12  }
0x3b: {  	[tilespmem:s18+$0xD810] =	vst v12  }
0x3c: {  	[tilespmem:s18+$0xD820] =	vst v12  }
0x3d: {  	[tilespmem:s18+$0xD830] =	vst v12  }
0x3e: {  	[tilespmem:s18+$0xD840] =	vst v12  }
0x3f: {  	[tilespmem:s18+$0xD850] =	vst v12  }
0x40: {  	[tilespmem:s18+$0xD860] =	vst v12  }
.LBB2_6:
0x41: {  	v26 =	vadd.s32 s17, v9;
	_ =	sdelay $0x4  }
0x42: {  	v27 =	vld.idx.msk [tilespmem:v26+s12+$0x0], $0xffff  }
0x43: {  	v26 =	vld.idx.msk [tilespmem:v26+s10+$0x0], $0xffff;
	_ =	sdelay $0x3  }
0x44: {  	v27 =	vsub.s32 v27, v2  }
0x45: {  	v26 =	vsub.s32 v26, v2;
	v28 =	vmul.u32 $0x18, v27  }
0x46: {  	v29 =	vmul.u32 $0x18, v26  }
0x47: {  	v26 =	vadd.s32 v28, v26  }
0x48: {  	v27 =	vadd.s32 v27, v29;
	v26 =	vadd.s32 v10, v26  }
0x49: {  	v27 =	vadd.s32 v10, v27  }
0x4a: {  	v49 =	vadd.s32 s17, v14;
	_ =	sdelay $0x1  }
0x4b: {  	s18 =	simm.s32 $0x0  }
0x4c: {  	[tilespmem:v26+s18+$0x0] =	vst.idx.add.f32.msk $0xffff, v13  }
0x4d: {  	[tilespmem:v27+s18+$0x0] =	vst.idx.add.f32.msk $0xffff, v13  }
0x4e: {  	v26 =	vld.idx.msk [tilespmem:v49+s12+$0x0], $0xffff  }
0x4f: {  	v27 =	vld.idx.msk [tilespmem:v49+s10+$0x0], $0xffff;
	_ =	sdelay $0x3  }
0x50: {  	v26 =	vsub.s32 v26, v3  }
0x51: {  	v27 =	vsub.s32 v27, v3;
	v50 =	vmul.u32 $0x18, v26  }
0x52: {  	v51 =	vmul.u32 $0x18, v27  }
0x53: {  	v27 =	vadd.s32 v50, v27  }
0x54: {  	v26 =	vadd.s32 v26, v51;
	v27 =	vadd.s32 v15, v27  }
0x55: {  	v26 =	vadd.s32 v15, v26  }
0x56: {  	v52 =	vadd.s32 s17, v16;
	_ =	sdelay $0x2  }
0x57: {  	[tilespmem:v27+s18+$0x0] =	vst.idx.add.f32.msk $0xffff, v13  }
0x58: {  	[tilespmem:v26+s18+$0x0] =	vst.idx.add.f32.msk $0xffff, v13  }
0x59: {  	v26 =	vld.idx.msk [tilespmem:v52+s12+$0x0], $0xffff  }
0x5a: {  	v27 =	vld.idx.msk [tilespmem:v52+s10+$0x0], $0xffff;
	_ =	sdelay $0x3  }
0x5b: {  	v26 =	vsub.s32 v26, v4  }
0x5c: {  	v27 =	vsub.s32 v27, v4;
	v53 =	vmul.u32 $0x18, v26  }
0x5d: {  	v54 =	vmul.u32 $0x18, v27  }
0x5e: {  	v27 =	vadd.s32 v53, v27  }
0x5f: {  	v26 =	vadd.s32 v26, v54;
	v27 =	vadd.s32 v17, v27  }
0x60: {  	v26 =	vadd.s32 v17, v26  }
0x61: {  	v55 =	vadd.s32 s17, v18;
	_ =	sdelay $0x2  }
0x62: {  	[tilespmem:v27+s18+$0x0] =	vst.idx.add.f32.msk $0xffff, v13  }
0x63: {  	[tilespmem:v26+s18+$0x0] =	vst.idx.add.f32.msk $0xffff, v13  }
0x64: {  	v26 =	vld.idx.msk [tilespmem:v55+s12+$0x0], $0xffff  }
0x65: {  	v27 =	vld.idx.msk [tilespmem:v55+s10+$0x0], $0xffff;
	_ =	sdelay $0x3  }
0x66: {  	v26 =	vsub.s32 v26, v5  }
0x67: {  	v27 =	vsub.s32 v27, v5;
	v56 =	vmul.u32 $0x18, v26  }
0x68: {  	v57 =	vmul.u32 $0x18, v27  }
0x69: {  	v27 =	vadd.s32 v56, v27  }
0x6a: {  	v26 =	vadd.s32 v26, v57;
	v27 =	vadd.s32 v20, v27  }
0x6b: {  	v26 =	vadd.s32 v20, v26  }
0x6c: {  	v58 =	vadd.s32 s17, v21;
	_ =	sdelay $0x2  }
0x6d: {  	[tilespmem:v27+s18+$0x0] =	vst.idx.add.f32.msk $0xffff, v13  }
0x6e: {  	[tilespmem:v26+s18+$0x0] =	vst.idx.add.f32.msk $0xffff, v13  }
0x6f: {  	v26 =	vld.idx.msk [tilespmem:v58+s12+$0x0], $0xffff  }
0x70: {  	v27 =	vld.idx.msk [tilespmem:v58+s10+$0x0], $0xffff;
	_ =	sdelay $0x3  }
0x71: {  	v26 =	vsub.s32 v26, v6  }
0x72: {  	v27 =	vsub.s32 v27, v6;
	v59 =	vmul.u32 $0x18, v26  }
0x73: {  	v60 =	vmul.u32 $0x18, v27  }
0x74: {  	v27 =	vadd.s32 v59, v27  }
0x75: {  	v26 =	vadd.s32 v26, v60;
	v27 =	vadd.s32 v22, v27  }
0x76: {  	v26 =	vadd.s32 v22, v26  }
0x77: {  	v61 =	vadd.s32 s17, v23;
	_ =	sdelay $0x2  }
0x78: {  	[tilespmem:v27+s18+$0x0] =	vst.idx.add.f32.msk $0xffff, v13  }
0x79: {  	[tilespmem:v26+s18+$0x0] =	vst.idx.add.f32.msk $0xffff, v13  }
0x7a: {  	v26 =	vld.idx.msk [tilespmem:v61+s12+$0x0], $0xffff  }
0x7b: {  	v27 =	vld.idx.msk [tilespmem:v61+s10+$0x0], $0xffff;
	_ =	sdelay $0x3  }
0x7c: {  	v26 =	vsub.s32 v26, v7  }
0x7d: {  	v27 =	vsub.s32 v27, v7;
	v62 =	vmul.u32 $0x18, v26  }
0x7e: {  	v63 =	vmul.u32 $0x18, v27  }
0x7f: {  	v27 =	vadd.s32 v62, v27  }
0x80: {  	v26 =	vadd.s32 v26, v63;
	v27 =	vadd.s32 v24, v27  }
0x81: {  	p0 =	sne.s32 s17, $0x2F;
	v26 =	vadd.s32 v24, v26  }
.Ltmp2:
0x82: {  	_ = 	snop;
	(pc) =	sbr.rel @p0 .LBB2_6-.Ltmp2, $3  }
0x83: {  	_ =	sdelay $0x1  }
0x84: {  	[tilespmem:v27+s18+$0x0] =	vst.idx.add.f32.msk $0xffff, v13  }
0x85: {  	s17 =	sadd.s32 $0x1, s17;
	[tilespmem:v26+s18+$0x0] =	vst.idx.add.f32.msk $0xffff, v13  }
.LBB2_7:
0x86: {  	v26 =	vadd.s32 s18, v0;
	_ =	sdelay $0x4  }
0x87: {  	v27 =	vld.idx.msk [tilespmem:v26+s14+$0x0], $0xffff  }
0x88: {  	v26 =	vld.idx.msk [tilespmem:v26+s13+$0x0], $0xffff;
	_ =	sdelay $0x3  }
0x89: {  	v27 =	vsub.s32 v27, v8  }
0x8a: {  	v26 =	vsub.s32 v26, v8;
	v28 =	vmul.u32 $0xC, v27  }
0x8b: {  	v29 =	vmul.u32 $0xC, v26  }
0x8c: {  	v26 =	vadd.s32 v28, v26  }
0x8d: {  	v27 =	vadd.s32 v27, v29;
	v26 =	vadd.s32 v19, v26  }
0x8e: {  	v27 =	vadd.s32 v19, v27  }
0x8f: {  	v61 =	vadd.s32 s18, v1;
	_ =	sdelay $0x2  }
0x90: {  	[tilespmem:v26+s15+$0x0] =	vst.idx.add.f32.msk $0xffff, v13  }
0x91: {  	[tilespmem:v27+s15+$0x0] =	vst.idx.add.f32.msk $0xffff, v13  }
0x92: {  	v26 =	vld.idx.msk [tilespmem:v61+s14+$0x0], $0xffff  }
0x93: {  	v27 =	vld.idx.msk [tilespmem:v61+s13+$0x0], $0xffff;
	_ =	sdelay $0x3  }
0x94: {  	v26 =	vsub.s32 v26, v11  }
0x95: {  	v27 =	vsub.s32 v27, v11;
	v62 =	vmul.u32 $0xC, v26  }
0x96: {  	v63 =	vmul.u32 $0xC, v27  }
0x97: {  	v27 =	vadd.s32 v62, v27  }
0x98: {  	v26 =	vadd.s32 v26, v63;
	v27 =	vadd.s32 v25, v27  }
0x99: {  	p0 =	sne.s32 s18, $0x17;
	v26 =	vadd.s32 v25, v26  }
.Ltmp3:
0x9a: {  	_ = 	snop;
	(pc) =	sbr.rel @p0 .LBB2_7-.Ltmp3, $3  }
0x9b: {  	_ =	sdelay $0x1  }
0x9c: {  	[tilespmem:v27+s15+$0x0] =	vst.idx.add.f32.msk $0xffff, v13  }
0x9d: {  	s18 =	sadd.s32 $0x1, s18;
	[tilespmem:v26+s15+$0x0] =	vst.idx.add.f32.msk $0xffff, v13  }
0x9e: {  	[hbm4b:s7+s2] =	stream.linear.scatter [tilespmem:s2], [sflag:$0x1], $0xD800, $0x38;
	[tilespmem:$0x11400] =	vst v63  }
0x9f: {  	s16 =	sadd.s32 $0x1, s16;
	_ =	swait.ge [sflag:s11], $0xD800  }
0xa0: {  	p0 =	sne.s32 s16, s9;
	[sflag:s11] =	ssyncset.done $0x0  }
.Ltmp4:
0xa1: {  	[sflag:s11] =	ssyncadd.s32 $0xFFFF2800;
	(pc) =	sbr.rel @p0 .LBB2_1-.Ltmp4, $4  }
0xa2: {  	[hbm4b:s8+s2] =	stream.linear.scatter [tilespmem:s15], [sflag:$0x1], $0x1200, $0x38;
	[tilespmem:$0x11400] =	vst v63  }
0xa3: {  	_ =	swait.ge [sflag:s11], $0x1200  }
0xa4: {  	[sflag:s11] =	ssyncset.done $0x0  }
0xa5: {  	[sflag:s11] =	ssyncadd.s32 $0xFFFFEE00  }
0xa6: {  	_ =	sfence.sel $0x180000  }
0xa7: {  	[bflag:$0x0] =	sbarrier.arrive $0xFFFF  }
0xa8: {  	p0 =	sne.s32 s0, $0x0;
	_ =	strace $0x90000047  }
0xa9: {  	s0 =	sadd.s32 @!p0 $0x100000, s1;
	[bflag:$0x2] =	sbarrier.arrive $0xFFFF  }
0xaa: {  	[sflag:s0] =	ssyncadd.tile.s32 @!p0 $0x1;
	_ =	shalt  }
.Lfunc_end2:
_tile_overlayer_lowered:
.L_overlay_start_2:
0xab: {  	(tag) =	ssettag $0x2  }
0xac: {  	s0 =	rddreg [dreg:$0x0];
	s2 =	stileid.u32  }
0xad: {  	s1 =	rddreg [dreg:$0x1];
	p0 =	sne.s32 s2, $0x0  }
0xae: {  	s3 =	rddreg [dreg:$0x2];
	[bflag:$0x3] =	sbarrier.arrive $0xFFFF;
	s2 =	simm.s32 @!p0 $0x1C01  }
0xaf: {  	[timem:s3], [sflag:s2] =	dma.local @!p0 [hbm:s0], s1  }
0xb0: {  	s0 =	simm.s32 @!p0 $0x1  }
0xb1: {  	_ =	swait.ge @!p0 [sflag:s0], s1  }
0xb2: {  	s1 =	ssub.s32 @!p0 $0x0, s1;
	[sflag:s0] =	ssyncset.done @!p0 $0x0  }
0xb3: {  	[sflag:s0] =	ssyncadd.s32 @!p0 s1  }
0xb4: {  	[bflag:$0x3] =	sbarrier.arrive $0xFFFF  }
0xb5: {  	_ =	shalt  }

</sc_bundles>
